<compile_context>
chip_gen: v7x
topology: tpu7x:2x2x1
jax: 0.10.2.dev20260603
libtpu: 0.0.44.dev20260713+nightly
codegen_flags: <defaults>
</compile_context>

<pallas_src>
import functools

import jax
import jax.numpy as jnp
from jax import lax
from jax.experimental import pallas as pl
from jax.experimental.pallas import tpu as pltpu
from jax.experimental.pallas import tpu_sc as plsc

B = 1024
NGRAM = 10
Z = 10
D = 128
V = 100000
LANES = 16
NW = 32
SPW = B // NW
WPW = SPW * NGRAM
NPW = SPW * Z
GCHUNK = 80


@functools.cache
def _sc_gather_built():
    mesh = plsc.VectorSubcoreMesh(core_axis_name="c", subcore_axis_name="s")
    return functools.partial(
        pl.kernel,
        out_type=[
            jax.ShapeDtypeStruct((B, D), jnp.float32),
            jax.ShapeDtypeStruct((B, D), jnp.float32),
            jax.ShapeDtypeStruct((Z * B, D), jnp.float32),
        ],
        mesh=mesh,
        compiler_params=pltpu.CompilerParams(needs_layout_passes=False),
        scratch_types=[
            pltpu.VMEM((WPW, D), jnp.float32),
            pltpu.VMEM((NPW, D), jnp.float32),
            pltpu.VMEM((SPW, D), jnp.float32),
            pltpu.VMEM((SPW, D), jnp.float32),
            pltpu.VMEM((WPW,), jnp.int32),
            pltpu.VMEM((NPW,), jnp.int32),
            pltpu.VMEM((SPW,), jnp.int32),
            pltpu.SemaphoreType.DMA,
            pltpu.SemaphoreType.DMA,
            pltpu.SemaphoreType.DMA,
        ],
    )(_sc_gather_body)


def _sc_gather_body(rvt_hbm, rdt_hbm, widx_hbm, didx_hbm, nidx_hbm,
                    wp_hbm, docs_hbm, neg_hbm,
                    wrows_v, nrows_v, drows_v, wp_v,
                    widx_v, nidx_v, didx_v, sem_w, sem_n, sem_d):
    wid = lax.axis_index("s") * 2 + lax.axis_index("c")

    iw = pltpu.async_copy(widx_hbm.at[pl.ds(wid * WPW, WPW)], widx_v, sem_w)
    in_ = pltpu.async_copy(nidx_hbm.at[pl.ds(wid * NPW, NPW)], nidx_v, sem_n)
    id_ = pltpu.async_copy(didx_hbm.at[pl.ds(wid * SPW, SPW)], didx_v, sem_d)
    iw.wait()
    in_.wait()
    id_.wait()

    copies = []
    for k in range(WPW // GCHUNK):
        copies.append(pltpu.async_copy(
            rvt_hbm.at[widx_v.at[pl.ds(k * GCHUNK, GCHUNK)]],
            wrows_v.at[pl.ds(k * GCHUNK, GCHUNK)], sem_w))
    for k in range(NPW // GCHUNK):
        copies.append(pltpu.async_copy(
            rdt_hbm.at[nidx_v.at[pl.ds(k * GCHUNK, GCHUNK)]],
            nrows_v.at[pl.ds(k * GCHUNK, GCHUNK)], sem_n))
    gd = pltpu.async_copy(rdt_hbm.at[didx_v], drows_v, sem_d)

    gd.wait()
    outs = [pltpu.async_copy(drows_v, docs_hbm.at[pl.ds(wid * SPW, SPW)],
                             sem_d)]
    for c in copies:
        c.wait()
    for zi in range(Z):
        outs.append(pltpu.async_copy(
            nrows_v.at[pl.ds(zi * SPW, SPW)],
            neg_hbm.at[pl.ds(zi * B + wid * SPW, SPW)], sem_n))

    def sum_chunk(i, carry):
        s = i // (D // LANES)
        c = i % (D // LANES)
        acc = jnp.zeros((LANES,), jnp.float32)
        for zi in range(NGRAM):
            acc = acc + wrows_v[s * NGRAM + zi, pl.ds(c * LANES, LANES)]
        wp_v[s, pl.ds(c * LANES, LANES)] = acc
        return carry

    lax.fori_loop(0, SPW * (D // LANES), sum_chunk, 0)
    outs.append(pltpu.async_copy(wp_v, wp_hbm.at[pl.ds(wid * SPW, SPW)],
                                 sem_w))
    for c in outs:
        c.wait()


def _reg_body(rdt_ref, out_ref):
    x = rdt_ref[...]
    psum = jnp.sum(x * x)

    @pl.when(pl.program_id(0) == 0)
    def _init():
        out_ref[...] = jnp.zeros((1, 1), jnp.float32)

    out_ref[...] += psum[None, None]


_REG_BLOCK = 25000
_reg_sum = pl.pallas_call(
    _reg_body,
    grid=(V // _REG_BLOCK,),
    in_specs=[pl.BlockSpec((_REG_BLOCK, D), lambda i: (i, 0))],
    out_specs=pl.BlockSpec((1, 1), lambda i: (0, 0)),
    out_shape=jax.ShapeDtypeStruct((1, 1), jnp.float32),
)


def _tc_finish_body(wp_ref, docs_ref, neg_ref, reg_ref, proj_ref, beta_ref,
                    out_ref):
    wp = wp_ref[...] * (1.0 / NGRAM)
    norm = jnp.sqrt(jnp.sum(wp * wp, axis=1, keepdims=True))
    normed = wp / norm
    t_tensor = lax.dot_general(normed, proj_ref[...],
                               (((1,), (1,)), ((), ())),
                               preferred_element_type=jnp.float32)
    mean = jnp.mean(t_tensor, axis=0, keepdims=True)
    std = jnp.sqrt(jnp.sum((t_tensor - mean) ** 2, axis=0, keepdims=True)
                   / (B - 1))
    t = jnp.clip((t_tensor - mean) / jnp.sqrt(std) + beta_ref[...], -1.0, 1.0)

    pos_logit = jnp.sum(t * docs_ref[...], axis=1, keepdims=True)
    p_pos = jnp.clip(1.0 / (1.0 + jnp.exp(-pos_logit)), -0.999, 0.999)
    acc = float(Z) * jnp.log(p_pos)
    for zi in range(Z):
        nl = jnp.sum(t * neg_ref[zi * B:(zi + 1) * B, :], axis=1,
                     keepdims=True)
        p_neg = jnp.clip(1.0 / (1.0 + jnp.exp(-nl)), -0.999, 0.999)
        acc = acc + jnp.log(jnp.clip(1.0 - p_neg, 0.01, None))

    reg = reg_ref[0, 0] + jnp.sum(proj_ref[...] * proj_ref[...])
    loss = ((Z + 1) / (2 * Z)) * jnp.sum(acc) / B + 0.01 / (2 * B) * reg
    out_ref[...] = loss[None, None]


_tc_finish = pl.pallas_call(
    _tc_finish_body,
    out_shape=jax.ShapeDtypeStruct((1, 1), jnp.float32),
)


def kernel(rv, rd, proj, beta, word_ids, doc_ids, nsample_ids):
    rvt = rv.T
    rdt = rd.T
    widx = word_ids.astype(jnp.int32).reshape(-1)
    didx = doc_ids.astype(jnp.int32)
    nidx = (nsample_ids.astype(jnp.int32)
            .reshape(NW, SPW, Z).transpose(0, 2, 1).reshape(-1))
    wp, docs, neg = _sc_gather_built()(rvt, rdt, widx, didx, nidx)
    reg = _reg_sum(rdt)
    loss = _tc_finish(wp, docs, neg, reg, proj, beta.reshape(1, D))
    return loss.reshape(())

# --- scband reference (transcript-rebuilt; emitter-appended) ---
"""Pipeline reference for scband-nvsm-25735444037692 (READ-ONLY COPY).

The authoritative reference and input builder live on the scoring server;
editing this copy changes nothing except your own understanding.
"""

import jax, jax.numpy as jnp
import numpy as np


def setup_inputs(seed: int = 0) -> dict:
    key = jax.random.key(seed)
    ks = jax.random.split(key, 7)
    num_documents = 100000
    vocab = 100000
    doc_dim = 128
    word_dim = 128
    batch = 1024
    n_gram = 10
    z = 10
    # learned parameters (xavier-like init for rd/proj, fixed pretrained-style rv, uniform beta)
    rd = jax.random.normal(ks[0], (doc_dim, num_documents), dtype=jnp.float32) * (2.0 / (doc_dim + num_documents)) ** 0.5
    rv = jax.random.normal(ks[1], (word_dim, vocab), dtype=jnp.float32) * 0.1
    proj = jax.random.normal(ks[2], (doc_dim, word_dim), dtype=jnp.float32) * (2.0 / (doc_dim + word_dim)) ** 0.5
    beta = jax.random.uniform(ks[3], (doc_dim, 1), dtype=jnp.float32)
    # pre-sampled batch indices (replaces the torch module's internal random sampling)
    word_ids = jax.random.randint(ks[4], (batch, n_gram), 0, vocab)
    doc_ids = jax.random.randint(ks[5], (batch,), 0, num_documents)
    nsample_ids = jax.random.randint(ks[6], (batch, z), 0, num_documents)
    return {"rv": rv, "rd": rd, "proj": proj, "beta": beta,
            "word_ids": word_ids, "doc_ids": doc_ids, "nsample_ids": nsample_ids}


def reference(rv, rd, proj, beta, word_ids, doc_ids, nsample_ids):
    z = nsample_ids.shape[1]
    batch = word_ids.shape[0]
    lamb = 0.01
    # sample_batch: per-sample n-gram word embedding gather  rv.index_select(1, ids) -> (word_dim, n_gram)
    words = jnp.take(rv.T, word_ids, axis=0)          # (B, n_gram, word_dim)
    # g(): mean over the n-gram positions (torch: words.mean(1) on the (B*word_dim, n_gram) layout)
    wp = words.mean(axis=1)                            # (B, word_dim)
    # norm(): x / ||x||_F per sample
    normed = wp / jnp.linalg.norm(wp, axis=1, keepdims=True)
    # f(): proj @ x per sample -> t_tensor is (doc_dim, B) in torch; we keep (B, doc_dim)
    t_tensor = normed @ proj.T                         # (B, doc_dim)
    # batch statistics over the batch axis (torch t_tensor.mean(1)/std(1), std is unbiased)
    mean = t_tensor.mean(axis=0)                       # (doc_dim,)
    std = jnp.std(t_tensor, axis=0, ddof=1)            # (doc_dim,) unbiased like torch.std
    # t(): hardtanh((x - mean)/sqrt(std) + beta)  (sqrt of std kept faithful to source)
    t = jnp.clip((t_tensor - mean) / jnp.sqrt(std) + beta.reshape(-1), -1.0, 1.0)  # (B, doc_dim)
    # positive document embedding gather  rd.index_select(1, doc_idx)
    docs = jnp.take(rd.T, doc_ids, axis=0)             # (B, doc_dim)
    p_pos = jnp.clip(jax.nn.sigmoid(jnp.sum(t * docs, axis=1)), -0.999, 0.999)  # (B,)
    log_p = z * jnp.log(p_pos)                         # (B,)
    # negative sample gather  rd.index_select(1, nsample_indices) -> (doc_dim, z)
    neg = jnp.take(rd.T, nsample_ids, axis=0)          # (B, z, doc_dim)
    p_neg = jnp.clip(jax.nn.sigmoid(jnp.einsum('bd,bzd->bz', t, neg)), -0.999, 0.999)
    nsample_log = jnp.sum(jnp.log(jnp.clip(1.0 - p_neg, 0.01, None)), axis=1)    # (B,)
    out = (z + 1) / (2 * z) * (log_p + nsample_log)    # (B,)
    loss = jnp.sum(out) / batch + lamb / (2 * batch) * (jnp.sum(rd * rd) + jnp.sum(proj * proj))
    return loss

if __name__ == "__main__":
    import jax
    _d = setup_inputs()
    print(jax.jit(kernel)(*tuple(_d.values())))

</pallas_src>

<mosaic_0001>
#map = affine_map<(d0, d1) -> (0, 0)>
#map1 = affine_map<(d0, d1) -> (0)>
module attributes {stable_mosaic.version = 14 : i64} {
  func.func @_sc_gather_body(%arg0: i32, %arg1: i32, %arg2: memref<100000x128xf32, #tpu.memory_space<hbm>>, %arg3: memref<100000x128xf32, #tpu.memory_space<hbm>>, %arg4: memref<10240xi32, #tpu.memory_space<hbm>>, %arg5: memref<1024xi32, #tpu.memory_space<hbm>>, %arg6: memref<10240xi32, #tpu.memory_space<hbm>>, %arg7: memref<1024x128xf32, #tpu.memory_space<hbm>>, %arg8: memref<1024x128xf32, #tpu.memory_space<hbm>>, %arg9: memref<10240x128xf32, #tpu.memory_space<hbm>>, %arg10: memref<320x128xf32, #tpu.memory_space<vmem>>, %arg11: memref<320x128xf32, #tpu.memory_space<vmem>>, %arg12: memref<32x128xf32, #tpu.memory_space<vmem>>, %arg13: memref<32x128xf32, #tpu.memory_space<vmem>>, %arg14: memref<320xi32, #tpu.memory_space<vmem>>, %arg15: memref<320xi32, #tpu.memory_space<vmem>>, %arg16: memref<32xi32, #tpu.memory_space<vmem>>, %arg17: memref<!tpu.dma_semaphore, #tpu.memory_space<semaphore_mem>>, %arg18: memref<!tpu.dma_semaphore, #tpu.memory_space<semaphore_mem>>, %arg19: memref<!tpu.dma_semaphore, #tpu.memory_space<semaphore_mem>>) attributes {dimension_semantics = [#tpu.dimension_semantics<core_parallel>, #tpu.dimension_semantics<subcore_parallel>], iteration_bounds = array<i64: 2, 16>, scalar_prefetch = 0 : i64, scratch_operands = 10 : i64, tpu.core_type = #tpu.core_type<sc_vector_subcore>, window_params = [{transform_indices = #map}, {transform_indices = #map}, {transform_indices = #map1}, {transform_indices = #map1}, {transform_indices = #map1}, {transform_indices = #map}, {transform_indices = #map}, {transform_indices = #map}]} {
    %mul3A = arith.constant 2 : i32
    %mul3A_0 = arith.muli %arg1, %mul3A : i32
    %add3A = arith.addi %mul3A_0, %arg0 : i32
    %mul3A_1 = arith.constant 320 : i32
    %mul3A_2 = arith.muli %add3A, %mul3A_1 : i32
    %dma_start3A = tpu.memref_slice %arg4[%mul3A_2] : memref<10240xi32, #tpu.memory_space<hbm>> -> memref<320xi32, #tpu.memory_space<hbm>>
    %dma_start3A_3 = tpu.memref_slice %arg4[%mul3A_2] : memref<10240xi32, #tpu.memory_space<hbm>> -> memref<320xi32, #tpu.memory_space<hbm>>
    tpu.enqueue_dma source(%dma_start3A_3 : memref<320xi32, #tpu.memory_space<hbm>>) target(%arg14 : memref<320xi32, #tpu.memory_space<vmem>>) target_semaphore(%arg17 : memref<!tpu.dma_semaphore, #tpu.memory_space<semaphore_mem>>)
    %mul3A_4 = arith.constant 320 : i32
    %mul3A_5 = arith.muli %add3A, %mul3A_4 : i32
    %dma_start3A_6 = tpu.memref_slice %arg6[%mul3A_5] : memref<10240xi32, #tpu.memory_space<hbm>> -> memref<320xi32, #tpu.memory_space<hbm>>
    %dma_start3A_7 = tpu.memref_slice %arg6[%mul3A_5] : memref<10240xi32, #tpu.memory_space<hbm>> -> memref<320xi32, #tpu.memory_space<hbm>>
    tpu.enqueue_dma source(%dma_start3A_7 : memref<320xi32, #tpu.memory_space<hbm>>) target(%arg15 : memref<320xi32, #tpu.memory_space<vmem>>) target_semaphore(%arg18 : memref<!tpu.dma_semaphore, #tpu.memory_space<semaphore_mem>>)
    %mul3A_8 = arith.constant 32 : i32
    %mul3A_9 = arith.muli %add3A, %mul3A_8 : i32
    %dma_start3A_10 = tpu.memref_slice %arg5[%mul3A_9] : memref<1024xi32, #tpu.memory_space<hbm>> -> memref<32xi32, #tpu.memory_space<hbm>>
    %dma_start3A_11 = tpu.memref_slice %arg5[%mul3A_9] : memref<1024xi32, #tpu.memory_space<hbm>> -> memref<32xi32, #tpu.memory_space<hbm>>
    tpu.enqueue_dma source(%dma_start3A_11 : memref<32xi32, #tpu.memory_space<hbm>>) target(%arg16 : memref<32xi32, #tpu.memory_space<vmem>>) target_semaphore(%arg19 : memref<!tpu.dma_semaphore, #tpu.memory_space<semaphore_mem>>)
    %dma_wait3A = tpu.memref_slice %arg4[%mul3A_2] : memref<10240xi32, #tpu.memory_space<hbm>> -> memref<320xi32, #tpu.memory_space<hbm>>
    %dma_wait3A_12 = tpu.memref_slice %arg4[%mul3A_2] : memref<10240xi32, #tpu.memory_space<hbm>> -> memref<320xi32, #tpu.memory_space<hbm>>
    tpu.wait_dma2 semaphore(%arg17 : memref<!tpu.dma_semaphore, #tpu.memory_space<semaphore_mem>>) src(%dma_wait3A_12 : memref<320xi32, #tpu.memory_space<hbm>>) dst(%arg14 : memref<320xi32, #tpu.memory_space<vmem>>)
    %dma_wait3A_13 = tpu.memref_slice %arg6[%mul3A_5] : memref<10240xi32, #tpu.memory_space<hbm>> -> memref<320xi32, #tpu.memory_space<hbm>>
    %dma_wait3A_14 = tpu.memref_slice %arg6[%mul3A_5] : memref<10240xi32, #tpu.memory_space<hbm>> -> memref<320xi32, #tpu.memory_space<hbm>>
    tpu.wait_dma2 semaphore(%arg18 : memref<!tpu.dma_semaphore, #tpu.memory_space<semaphore_mem>>) src(%dma_wait3A_14 : memref<320xi32, #tpu.memory_space<hbm>>) dst(%arg15 : memref<320xi32, #tpu.memory_space<vmem>>)
    %dma_wait3A_15 = tpu.memref_slice %arg5[%mul3A_9] : memref<1024xi32, #tpu.memory_space<hbm>> -> memref<32xi32, #tpu.memory_space<hbm>>
    %dma_wait3A_16 = tpu.memref_slice %arg5[%mul3A_9] : memref<1024xi32, #tpu.memory_space<hbm>> -> memref<32xi32, #tpu.memory_space<hbm>>
    tpu.wait_dma2 semaphore(%arg19 : memref<!tpu.dma_semaphore, #tpu.memory_space<semaphore_mem>>) src(%dma_wait3A_16 : memref<32xi32, #tpu.memory_space<hbm>>) dst(%arg16 : memref<32xi32, #tpu.memory_space<vmem>>)
    %dma_start3A_17 = arith.constant 0 : i32
    %dma_start3A_18 = arith.constant 0 : i32
    %dma_start3A_19 = tpu.memref_slice %arg10[%dma_start3A_17, %dma_start3A_18] : memref<320x128xf32, #tpu.memory_space<vmem>> -> memref<80x128xf32, #tpu.memory_space<vmem>>
    %dma_start3A_20 = arith.constant 0 : i32
    %dma_start3A_21 = tpu.memref_slice %arg14[%dma_start3A_20] : memref<320xi32, #tpu.memory_space<vmem>> -> memref<80xi32, #tpu.memory_space<vmem>>
    %dma_start3A_22 = arith.constant 0 : i32
    %dma_start3A_23 = arith.constant 0 : i32
    %dma_start3A_24 = tpu.memref_slice %arg2[%dma_start3A_22, %dma_start3A_23] : memref<100000x128xf32, #tpu.memory_space<hbm>> -> memref<100000x128xf32, #tpu.memory_space<hbm>>
    tpu.enqueue_indirect_dma source(%dma_start3A_24 : memref<100000x128xf32, #tpu.memory_space<hbm>>) target(%dma_start3A_19 : memref<80x128xf32, #tpu.memory_space<vmem>>) offsets(%dma_start3A_21 : memref<80xi32, #tpu.memory_space<vmem>>) semaphore(%arg17 : memref<!tpu.dma_semaphore, #tpu.memory_space<semaphore_mem>>)
    %dma_start3A_25 = arith.constant 80 : i32
    %dma_start3A_26 = arith.constant 0 : i32
    %dma_start3A_27 = tpu.memref_slice %arg10[%dma_start3A_25, %dma_start3A_26] : memref<320x128xf32, #tpu.memory_space<vmem>> -> memref<80x128xf32, #tpu.memory_space<vmem>>
    %dma_start3A_28 = arith.constant 80 : i32
    %dma_start3A_29 = tpu.memref_slice %arg14[%dma_start3A_28] : memref<320xi32, #tpu.memory_space<vmem>> -> memref<80xi32, #tpu.memory_space<vmem>>
    %dma_start3A_30 = arith.constant 0 : i32
    %dma_start3A_31 = arith.constant 0 : i32
    %dma_start3A_32 = tpu.memref_slice %arg2[%dma_start3A_30, %dma_start3A_31] : memref<100000x128xf32, #tpu.memory_space<hbm>> -> memref<100000x128xf32, #tpu.memory_space<hbm>>
    tpu.enqueue_indirect_dma source(%dma_start3A_32 : memref<100000x128xf32, #tpu.memory_space<hbm>>) target(%dma_start3A_27 : memref<80x128xf32, #tpu.memory_space<vmem>>) offsets(%dma_start3A_29 : memref<80xi32, #tpu.memory_space<vmem>>) semaphore(%arg17 : memref<!tpu.dma_semaphore, #tpu.memory_space<semaphore_mem>>)
    %dma_start3A_33 = arith.constant 160 : i32
    %dma_start3A_34 = arith.constant 0 : i32
    %dma_start3A_35 = tpu.memref_slice %arg10[%dma_start3A_33, %dma_start3A_34] : memref<320x128xf32, #tpu.memory_space<vmem>> -> memref<80x128xf32, #tpu.memory_space<vmem>>
    %dma_start3A_36 = arith.constant 160 : i32
    %dma_start3A_37 = tpu.memref_slice %arg14[%dma_start3A_36] : memref<320xi32, #tpu.memory_space<vmem>> -> memref<80xi32, #tpu.memory_space<vmem>>
    %dma_start3A_38 = arith.constant 0 : i32
    %dma_start3A_39 = arith.constant 0 : i32
    %dma_start3A_40 = tpu.memref_slice %arg2[%dma_start3A_38, %dma_start3A_39] : memref<100000x128xf32, #tpu.memory_space<hbm>> -> memref<100000x128xf32, #tpu.memory_space<hbm>>
    tpu.enqueue_indirect_dma source(%dma_start3A_40 : memref<100000x128xf32, #tpu.memory_space<hbm>>) target(%dma_start3A_35 : memref<80x128xf32, #tpu.memory_space<vmem>>) offsets(%dma_start3A_37 : memref<80xi32, #tpu.memory_space<vmem>>) semaphore(%arg17 : memref<!tpu.dma_semaphore, #tpu.memory_space<semaphore_mem>>)
    %dma_start3A_41 = arith.constant 240 : i32
    %dma_start3A_42 = arith.constant 0 : i32
    %dma_start3A_43 = tpu.memref_slice %arg10[%dma_start3A_41, %dma_start3A_42] : memref<320x128xf32, #tpu.memory_space<vmem>> -> memref<80x128xf32, #tpu.memory_space<vmem>>
    %dma_start3A_44 = arith.constant 240 : i32
    %dma_start3A_45 = tpu.memref_slice %arg14[%dma_start3A_44] : memref<320xi32, #tpu.memory_space<vmem>> -> memref<80xi32, #tpu.memory_space<vmem>>
    %dma_start3A_46 = arith.constant 0 : i32
    %dma_start3A_47 = arith.constant 0 : i32
    %dma_start3A_48 = tpu.memref_slice %arg2[%dma_start3A_46, %dma_start3A_47] : memref<100000x128xf32, #tpu.memory_space<hbm>> -> memref<100000x128xf32, #tpu.memory_space<hbm>>
    tpu.enqueue_indirect_dma source(%dma_start3A_48 : memref<100000x128xf32, #tpu.memory_space<hbm>>) target(%dma_start3A_43 : memref<80x128xf32, #tpu.memory_space<vmem>>) offsets(%dma_start3A_45 : memref<80xi32, #tpu.memory_space<vmem>>) semaphore(%arg17 : memref<!tpu.dma_semaphore, #tpu.memory_space<semaphore_mem>>)
    %dma_start3A_49 = arith.constant 0 : i32
    %dma_start3A_50 = arith.constant 0 : i32
    %dma_start3A_51 = tpu.memref_slice %arg11[%dma_start3A_49, %dma_start3A_50] : memref<320x128xf32, #tpu.memory_space<vmem>> -> memref<80x128xf32, #tpu.memory_space<vmem>>
    %dma_start3A_52 = arith.constant 0 : i32
    %dma_start3A_53 = tpu.memref_slice %arg15[%dma_start3A_52] : memref<320xi32, #tpu.memory_space<vmem>> -> memref<80xi32, #tpu.memory_space<vmem>>
    %dma_start3A_54 = arith.constant 0 : i32
    %dma_start3A_55 = arith.constant 0 : i32
    %dma_start3A_56 = tpu.memref_slice %arg3[%dma_start3A_54, %dma_start3A_55] : memref<100000x128xf32, #tpu.memory_space<hbm>> -> memref<100000x128xf32, #tpu.memory_space<hbm>>
    tpu.enqueue_indirect_dma source(%dma_start3A_56 : memref<100000x128xf32, #tpu.memory_space<hbm>>) target(%dma_start3A_51 : memref<80x128xf32, #tpu.memory_space<vmem>>) offsets(%dma_start3A_53 : memref<80xi32, #tpu.memory_space<vmem>>) semaphore(%arg18 : memref<!tpu.dma_semaphore, #tpu.memory_space<semaphore_mem>>)
    %dma_start3A_57 = arith.constant 80 : i32
    %dma_start3A_58 = arith.constant 0 : i32
    %dma_start3A_59 = tpu.memref_slice %arg11[%dma_start3A_57, %dma_start3A_58] : memref<320x128xf32, #tpu.memory_space<vmem>> -> memref<80x128xf32, #tpu.memory_space<vmem>>
    %dma_start3A_60 = arith.constant 80 : i32
    %dma_start3A_61 = tpu.memref_slice %arg15[%dma_start3A_60] : memref<320xi32, #tpu.memory_space<vmem>> -> memref<80xi32, #tpu.memory_space<vmem>>
    %dma_start3A_62 = arith.constant 0 : i32
    %dma_start3A_63 = arith.constant 0 : i32
    %dma_start3A_64 = tpu.memref_slice %arg3[%dma_start3A_62, %dma_start3A_63] : memref<100000x128xf32, #tpu.memory_space<hbm>> -> memref<100000x128xf32, #tpu.memory_space<hbm>>
    tpu.enqueue_indirect_dma source(%dma_start3A_64 : memref<100000x128xf32, #tpu.memory_space<hbm>>) target(%dma_start3A_59 : memref<80x128xf32, #tpu.memory_space<vmem>>) offsets(%dma_start3A_61 : memref<80xi32, #tpu.memory_space<vmem>>) semaphore(%arg18 : memref<!tpu.dma_semaphore, #tpu.memory_space<semaphore_mem>>)
    %dma_start3A_65 = arith.constant 160 : i32
    %dma_start3A_66 = arith.constant 0 : i32
    %dma_start3A_67 = tpu.memref_slice %arg11[%dma_start3A_65, %dma_start3A_66] : memref<320x128xf32, #tpu.memory_space<vmem>> -> memref<80x128xf32, #tpu.memory_space<vmem>>
    %dma_start3A_68 = arith.constant 160 : i32
    %dma_start3A_69 = tpu.memref_slice %arg15[%dma_start3A_68] : memref<320xi32, #tpu.memory_space<vmem>> -> memref<80xi32, #tpu.memory_space<vmem>>
    %dma_start3A_70 = arith.constant 0 : i32
    %dma_start3A_71 = arith.constant 0 : i32
    %dma_start3A_72 = tpu.memref_slice %arg3[%dma_start3A_70, %dma_start3A_71] : memref<100000x128xf32, #tpu.memory_space<hbm>> -> memref<100000x128xf32, #tpu.memory_space<hbm>>
    tpu.enqueue_indirect_dma source(%dma_start3A_72 : memref<100000x128xf32, #tpu.memory_space<hbm>>) target(%dma_start3A_67 : memref<80x128xf32, #tpu.memory_space<vmem>>) offsets(%dma_start3A_69 : memref<80xi32, #tpu.memory_space<vmem>>) semaphore(%arg18 : memref<!tpu.dma_semaphore, #tpu.memory_space<semaphore_mem>>)
    %dma_start3A_73 = arith.constant 240 : i32
    %dma_start3A_74 = arith.constant 0 : i32
    %dma_start3A_75 = tpu.memref_slice %arg11[%dma_start3A_73, %dma_start3A_74] : memref<320x128xf32, #tpu.memory_space<vmem>> -> memref<80x128xf32, #tpu.memory_space<vmem>>
    %dma_start3A_76 = arith.constant 240 : i32
    %dma_start3A_77 = tpu.memref_slice %arg15[%dma_start3A_76] : memref<320xi32, #tpu.memory_space<vmem>> -> memref<80xi32, #tpu.memory_space<vmem>>
    %dma_start3A_78 = arith.constant 0 : i32
    %dma_start3A_79 = arith.constant 0 : i32
    %dma_start3A_80 = tpu.memref_slice %arg3[%dma_start3A_78, %dma_start3A_79] : memref<100000x128xf32, #tpu.memory_space<hbm>> -> memref<100000x128xf32, #tpu.memory_space<hbm>>
    tpu.enqueue_indirect_dma source(%dma_start3A_80 : memref<100000x128xf32, #tpu.memory_space<hbm>>) target(%dma_start3A_75 : memref<80x128xf32, #tpu.memory_space<vmem>>) offsets(%dma_start3A_77 : memref<80xi32, #tpu.memory_space<vmem>>) semaphore(%arg18 : memref<!tpu.dma_semaphore, #tpu.memory_space<semaphore_mem>>)
    %dma_start3A_81 = arith.constant 0 : i32
    %dma_start3A_82 = arith.constant 0 : i32
    %dma_start3A_83 = tpu.memref_slice %arg3[%dma_start3A_81, %dma_start3A_82] : memref<100000x128xf32, #tpu.memory_space<hbm>> -> memref<100000x128xf32, #tpu.memory_space<hbm>>
    tpu.enqueue_indirect_dma source(%dma_start3A_83 : memref<100000x128xf32, #tpu.memory_space<hbm>>) target(%arg12 : memref<32x128xf32, #tpu.memory_space<vmem>>) offsets(%arg16 : memref<32xi32, #tpu.memory_space<vmem>>) semaphore(%arg19 : memref<!tpu.dma_semaphore, #tpu.memory_space<semaphore_mem>>)
    %dma_wait3A_84 = arith.constant 0 : i32
    %dma_wait3A_85 = arith.constant 0 : i32
    %dma_wait3A_86 = tpu.memref_slice %arg3[%dma_wait3A_84, %dma_wait3A_85] : memref<100000x128xf32, #tpu.memory_space<hbm>> -> memref<100000x128xf32, #tpu.memory_space<hbm>>
    tpu.wait_indirect_dma semaphore(%arg19 : memref<!tpu.dma_semaphore, #tpu.memory_space<semaphore_mem>>) src(%dma_wait3A_86 : memref<100000x128xf32, #tpu.memory_space<hbm>>) dst(%arg12 : memref<32x128xf32, #tpu.memory_space<vmem>>)
    %mul3A_87 = arith.constant 32 : i32
    %mul3A_88 = arith.muli %add3A, %mul3A_87 : i32
    %dma_start3A_89 = arith.constant 0 : i32
    %dma_start3A_90 = tpu.memref_slice %arg8[%mul3A_88, %dma_start3A_89] : memref<1024x128xf32, #tpu.memory_space<hbm>> -> memref<32x128xf32, #tpu.memory_space<hbm>>
    %dma_start3A_91 = arith.constant 0 : i32
    %dma_start3A_92 = tpu.memref_slice %arg8[%mul3A_88, %dma_start3A_91] : memref<1024x128xf32, #tpu.memory_space<hbm>> -> memref<32x128xf32, #tpu.memory_space<hbm>>
    tpu.enqueue_dma source(%arg12 : memref<32x128xf32, #tpu.memory_space<vmem>>) target(%dma_start3A_92 : memref<32x128xf32, #tpu.memory_space<hbm>>) target_semaphore(%arg19 : memref<!tpu.dma_semaphore, #tpu.memory_space<semaphore_mem>>)
    %dma_wait3A_93 = arith.constant 0 : i32
    %dma_wait3A_94 = arith.constant 0 : i32
    %dma_wait3A_95 = tpu.memref_slice %arg10[%dma_wait3A_93, %dma_wait3A_94] : memref<320x128xf32, #tpu.memory_space<vmem>> -> memref<80x128xf32, #tpu.memory_space<vmem>>
    %dma_wait3A_96 = arith.constant 0 : i32
    %dma_wait3A_97 = tpu.memref_slice %arg14[%dma_wait3A_96] : memref<320xi32, #tpu.memory_space<vmem>> -> memref<80xi32, #tpu.memory_space<vmem>>
    %dma_wait3A_98 = arith.constant 0 : i32
    %dma_wait3A_99 = arith.constant 0 : i32
    %dma_wait3A_100 = tpu.memref_slice %arg2[%dma_wait3A_98, %dma_wait3A_99] : memref<100000x128xf32, #tpu.memory_space<hbm>> -> memref<100000x128xf32, #tpu.memory_space<hbm>>
    tpu.wait_indirect_dma semaphore(%arg17 : memref<!tpu.dma_semaphore, #tpu.memory_space<semaphore_mem>>) src(%dma_wait3A_100 : memref<100000x128xf32, #tpu.memory_space<hbm>>) dst(%dma_wait3A_95 : memref<80x128xf32, #tpu.memory_space<vmem>>)
    %dma_wait3A_101 = arith.constant 80 : i32
    %dma_wait3A_102 = arith.constant 0 : i32
    %dma_wait3A_103 = tpu.memref_slice %arg10[%dma_wait3A_101, %dma_wait3A_102] : memref<320x128xf32, #tpu.memory_space<vmem>> -> memref<80x128xf32, #tpu.memory_space<vmem>>
    %dma_wait3A_104 = arith.constant 80 : i32
    %dma_wait3A_105 = tpu.memref_slice %arg14[%dma_wait3A_104] : memref<320xi32, #tpu.memory_space<vmem>> -> memref<80xi32, #tpu.memory_space<vmem>>
    %dma_wait3A_106 = arith.constant 0 : i32
    %dma_wait3A_107 = arith.constant 0 : i32
    %dma_wait3A_108 = tpu.memref_slice %arg2[%dma_wait3A_106, %dma_wait3A_107] : memref<100000x128xf32, #tpu.memory_space<hbm>> -> memref<100000x128xf32, #tpu.memory_space<hbm>>
    tpu.wait_indirect_dma semaphore(%arg17 : memref<!tpu.dma_semaphore, #tpu.memory_space<semaphore_mem>>) src(%dma_wait3A_108 : memref<100000x128xf32, #tpu.memory_space<hbm>>) dst(%dma_wait3A_103 : memref<80x128xf32, #tpu.memory_space<vmem>>)
    %dma_wait3A_109 = arith.constant 160 : i32
    %dma_wait3A_110 = arith.constant 0 : i32
    %dma_wait3A_111 = tpu.memref_slice %arg10[%dma_wait3A_109, %dma_wait3A_110] : memref<320x128xf32, #tpu.memory_space<vmem>> -> memref<80x128xf32, #tpu.memory_space<vmem>>
    %dma_wait3A_112 = arith.constant 160 : i32
    %dma_wait3A_113 = tpu.memref_slice %arg14[%dma_wait3A_112] : memref<320xi32, #tpu.memory_space<vmem>> -> memref<80xi32, #tpu.memory_space<vmem>>
    %dma_wait3A_114 = arith.constant 0 : i32
    %dma_wait3A_115 = arith.constant 0 : i32
    %dma_wait3A_116 = tpu.memref_slice %arg2[%dma_wait3A_114, %dma_wait3A_115] : memref<100000x128xf32, #tpu.memory_space<hbm>> -> memref<100000x128xf32, #tpu.memory_space<hbm>>
    tpu.wait_indirect_dma semaphore(%arg17 : memref<!tpu.dma_semaphore, #tpu.memory_space<semaphore_mem>>) src(%dma_wait3A_116 : memref<100000x128xf32, #tpu.memory_space<hbm>>) dst(%dma_wait3A_111 : memref<80x128xf32, #tpu.memory_space<vmem>>)
    %dma_wait3A_117 = arith.constant 240 : i32
    %dma_wait3A_118 = arith.constant 0 : i32
    %dma_wait3A_119 = tpu.memref_slice %arg10[%dma_wait3A_117, %dma_wait3A_118] : memref<320x128xf32, #tpu.memory_space<vmem>> -> memref<80x128xf32, #tpu.memory_space<vmem>>
    %dma_wait3A_120 = arith.constant 240 : i32
    %dma_wait3A_121 = tpu.memref_slice %arg14[%dma_wait3A_120] : memref<320xi32, #tpu.memory_space<vmem>> -> memref<80xi32, #tpu.memory_space<vmem>>
    %dma_wait3A_122 = arith.constant 0 : i32
    %dma_wait3A_123 = arith.constant 0 : i32
    %dma_wait3A_124 = tpu.memref_slice %arg2[%dma_wait3A_122, %dma_wait3A_123] : memref<100000x128xf32, #tpu.memory_space<hbm>> -> memref<100000x128xf32, #tpu.memory_space<hbm>>
    tpu.wait_indirect_dma semaphore(%arg17 : memref<!tpu.dma_semaphore, #tpu.memory_space<semaphore_mem>>) src(%dma_wait3A_124 : memref<100000x128xf32, #tpu.memory_space<hbm>>) dst(%dma_wait3A_119 : memref<80x128xf32, #tpu.memory_space<vmem>>)
    %dma_wait3A_125 = arith.constant 0 : i32
    %dma_wait3A_126 = arith.constant 0 : i32
    %dma_wait3A_127 = tpu.memref_slice %arg11[%dma_wait3A_125, %dma_wait3A_126] : memref<320x128xf32, #tpu.memory_space<vmem>> -> memref<80x128xf32, #tpu.memory_space<vmem>>
    %dma_wait3A_128 = arith.constant 0 : i32
    %dma_wait3A_129 = tpu.memref_slice %arg15[%dma_wait3A_128] : memref<320xi32, #tpu.memory_space<vmem>> -> memref<80xi32, #tpu.memory_space<vmem>>
    %dma_wait3A_130 = arith.constant 0 : i32
    %dma_wait3A_131 = arith.constant 0 : i32
    %dma_wait3A_132 = tpu.memref_slice %arg3[%dma_wait3A_130, %dma_wait3A_131] : memref<100000x128xf32, #tpu.memory_space<hbm>> -> memref<100000x128xf32, #tpu.memory_space<hbm>>
    tpu.wait_indirect_dma semaphore(%arg18 : memref<!tpu.dma_semaphore, #tpu.memory_space<semaphore_mem>>) src(%dma_wait3A_132 : memref<100000x128xf32, #tpu.memory_space<hbm>>) dst(%dma_wait3A_127 : memref<80x128xf32, #tpu.memory_space<vmem>>)
    %dma_wait3A_133 = arith.constant 80 : i32
    %dma_wait3A_134 = arith.constant 0 : i32
    %dma_wait3A_135 = tpu.memref_slice %arg11[%dma_wait3A_133, %dma_wait3A_134] : memref<320x128xf32, #tpu.memory_space<vmem>> -> memref<80x128xf32, #tpu.memory_space<vmem>>
    %dma_wait3A_136 = arith.constant 80 : i32
    %dma_wait3A_137 = tpu.memref_slice %arg15[%dma_wait3A_136] : memref<320xi32, #tpu.memory_space<vmem>> -> memref<80xi32, #tpu.memory_space<vmem>>
    %dma_wait3A_138 = arith.constant 0 : i32
    %dma_wait3A_139 = arith.constant 0 : i32
    %dma_wait3A_140 = tpu.memref_slice %arg3[%dma_wait3A_138, %dma_wait3A_139] : memref<100000x128xf32, #tpu.memory_space<hbm>> -> memref<100000x128xf32, #tpu.memory_space<hbm>>
    tpu.wait_indirect_dma semaphore(%arg18 : memref<!tpu.dma_semaphore, #tpu.memory_space<semaphore_mem>>) src(%dma_wait3A_140 : memref<100000x128xf32, #tpu.memory_space<hbm>>) dst(%dma_wait3A_135 : memref<80x128xf32, #tpu.memory_space<vmem>>)
    %dma_wait3A_141 = arith.constant 160 : i32
    %dma_wait3A_142 = arith.constant 0 : i32
    %dma_wait3A_143 = tpu.memref_slice %arg11[%dma_wait3A_141, %dma_wait3A_142] : memref<320x128xf32, #tpu.memory_space<vmem>> -> memref<80x128xf32, #tpu.memory_space<vmem>>
    %dma_wait3A_144 = arith.constant 160 : i32
    %dma_wait3A_145 = tpu.memref_slice %arg15[%dma_wait3A_144] : memref<320xi32, #tpu.memory_space<vmem>> -> memref<80xi32, #tpu.memory_space<vmem>>
    %dma_wait3A_146 = arith.constant 0 : i32
    %dma_wait3A_147 = arith.constant 0 : i32
    %dma_wait3A_148 = tpu.memref_slice %arg3[%dma_wait3A_146, %dma_wait3A_147] : memref<100000x128xf32, #tpu.memory_space<hbm>> -> memref<100000x128xf32, #tpu.memory_space<hbm>>
    tpu.wait_indirect_dma semaphore(%arg18 : memref<!tpu.dma_semaphore, #tpu.memory_space<semaphore_mem>>) src(%dma_wait3A_148 : memref<100000x128xf32, #tpu.memory_space<hbm>>) dst(%dma_wait3A_143 : memref<80x128xf32, #tpu.memory_space<vmem>>)
    %dma_wait3A_149 = arith.constant 240 : i32
    %dma_wait3A_150 = arith.constant 0 : i32
    %dma_wait3A_151 = tpu.memref_slice %arg11[%dma_wait3A_149, %dma_wait3A_150] : memref<320x128xf32, #tpu.memory_space<vmem>> -> memref<80x128xf32, #tpu.memory_space<vmem>>
    %dma_wait3A_152 = arith.constant 240 : i32
    %dma_wait3A_153 = tpu.memref_slice %arg15[%dma_wait3A_152] : memref<320xi32, #tpu.memory_space<vmem>> -> memref<80xi32, #tpu.memory_space<vmem>>
    %dma_wait3A_154 = arith.constant 0 : i32
    %dma_wait3A_155 = arith.constant 0 : i32
    %dma_wait3A_156 = tpu.memref_slice %arg3[%dma_wait3A_154, %dma_wait3A_155] : memref<100000x128xf32, #tpu.memory_space<hbm>> -> memref<100000x128xf32, #tpu.memory_space<hbm>>
    tpu.wait_indirect_dma semaphore(%arg18 : memref<!tpu.dma_semaphore, #tpu.memory_space<semaphore_mem>>) src(%dma_wait3A_156 : memref<100000x128xf32, #tpu.memory_space<hbm>>) dst(%dma_wait3A_151 : memref<80x128xf32, #tpu.memory_space<vmem>>)
    %mul3A_157 = arith.constant 32 : i32
    %mul3A_158 = arith.muli %add3A, %mul3A_157 : i32
    %add3A_159 = arith.constant 0 : i32
    %add3A_160 = arith.addi %add3A_159, %mul3A_158 : i32
    %dma_start3A_161 = arith.constant 0 : i32
    %dma_start3A_162 = arith.constant 0 : i32
    %dma_start3A_163 = tpu.memref_slice %arg11[%dma_start3A_161, %dma_start3A_162] : memref<320x128xf32, #tpu.memory_space<vmem>> -> memref<32x128xf32, #tpu.memory_space<vmem>>
    %dma_start3A_164 = arith.constant 0 : i32
    %dma_start3A_165 = tpu.memref_slice %arg9[%add3A_160, %dma_start3A_164] : memref<10240x128xf32, #tpu.memory_space<hbm>> -> memref<32x128xf32, #tpu.memory_space<hbm>>
    %dma_start3A_166 = arith.constant 0 : i32
    %dma_start3A_167 = tpu.memref_slice %arg9[%add3A_160, %dma_start3A_166] : memref<10240x128xf32, #tpu.memory_space<hbm>> -> memref<32x128xf32, #tpu.memory_space<hbm>>
    %dma_start3A_168 = arith.constant 0 : i32
    %dma_start3A_169 = arith.constant 0 : i32
    %dma_start3A_170 = tpu.memref_slice %arg11[%dma_start3A_168, %dma_start3A_169] : memref<320x128xf32, #tpu.memory_space<vmem>> -> memref<32x128xf32, #tpu.memory_space<vmem>>
    tpu.enqueue_dma source(%dma_start3A_170 : memref<32x128xf32, #tpu.memory_space<vmem>>) target(%dma_start3A_167 : memref<32x128xf32, #tpu.memory_space<hbm>>) target_semaphore(%arg18 : memref<!tpu.dma_semaphore, #tpu.memory_space<semaphore_mem>>)
    %mul3A_171 = arith.constant 32 : i32
    %mul3A_172 = arith.muli %add3A, %mul3A_171 : i32
    %add3A_173 = arith.constant 1024 : i32
    %add3A_174 = arith.addi %add3A_173, %mul3A_172 : i32
    %dma_start3A_175 = arith.constant 32 : i32
    %dma_start3A_176 = arith.constant 0 : i32
    %dma_start3A_177 = tpu.memref_slice %arg11[%dma_start3A_175, %dma_start3A_176] : memref<320x128xf32, #tpu.memory_space<vmem>> -> memref<32x128xf32, #tpu.memory_space<vmem>>
    %dma_start3A_178 = arith.constant 0 : i32
    %dma_start3A_179 = tpu.memref_slice %arg9[%add3A_174, %dma_start3A_178] : memref<10240x128xf32, #tpu.memory_space<hbm>> -> memref<32x128xf32, #tpu.memory_space<hbm>>
    %dma_start3A_180 = arith.constant 0 : i32
    %dma_start3A_181 = tpu.memref_slice %arg9[%add3A_174, %dma_start3A_180] : memref<10240x128xf32, #tpu.memory_space<hbm>> -> memref<32x128xf32, #tpu.memory_space<hbm>>
    %dma_start3A_182 = arith.constant 32 : i32
    %dma_start3A_183 = arith.constant 0 : i32
    %dma_start3A_184 = tpu.memref_slice %arg11[%dma_start3A_182, %dma_start3A_183] : memref<320x128xf32, #tpu.memory_space<vmem>> -> memref<32x128xf32, #tpu.memory_space<vmem>>
    tpu.enqueue_dma source(%dma_start3A_184 : memref<32x128xf32, #tpu.memory_space<vmem>>) target(%dma_start3A_181 : memref<32x128xf32, #tpu.memory_space<hbm>>) target_semaphore(%arg18 : memref<!tpu.dma_semaphore, #tpu.memory_space<semaphore_mem>>)
    %mul3A_185 = arith.constant 32 : i32
    %mul3A_186 = arith.muli %add3A, %mul3A_185 : i32
    %add3A_187 = arith.constant 2048 : i32
    %add3A_188 = arith.addi %add3A_187, %mul3A_186 : i32
    %dma_start3A_189 = arith.constant 64 : i32
    %dma_start3A_190 = arith.constant 0 : i32
    %dma_start3A_191 = tpu.memref_slice %arg11[%dma_start3A_189, %dma_start3A_190] : memref<320x128xf32, #tpu.memory_space<vmem>> -> memref<32x128xf32, #tpu.memory_space<vmem>>
    %dma_start3A_192 = arith.constant 0 : i32
    %dma_start3A_193 = tpu.memref_slice %arg9[%add3A_188, %dma_start3A_192] : memref<10240x128xf32, #tpu.memory_space<hbm>> -> memref<32x128xf32, #tpu.memory_space<hbm>>
    %dma_start3A_194 = arith.constant 0 : i32
    %dma_start3A_195 = tpu.memref_slice %arg9[%add3A_188, %dma_start3A_194] : memref<10240x128xf32, #tpu.memory_space<hbm>> -> memref<32x128xf32, #tpu.memory_space<hbm>>
    %dma_start3A_196 = arith.constant 64 : i32
    %dma_start3A_197 = arith.constant 0 : i32
    %dma_start3A_198 = tpu.memref_slice %arg11[%dma_start3A_196, %dma_start3A_197] : memref<320x128xf32, #tpu.memory_space<vmem>> -> memref<32x128xf32, #tpu.memory_space<vmem>>
    tpu.enqueue_dma source(%dma_start3A_198 : memref<32x128xf32, #tpu.memory_space<vmem>>) target(%dma_start3A_195 : memref<32x128xf32, #tpu.memory_space<hbm>>) target_semaphore(%arg18 : memref<!tpu.dma_semaphore, #tpu.memory_space<semaphore_mem>>)
    %mul3A_199 = arith.constant 32 : i32
    %mul3A_200 = arith.muli %add3A, %mul3A_199 : i32
    %add3A_201 = arith.constant 3072 : i32
    %add3A_202 = arith.addi %add3A_201, %mul3A_200 : i32
    %dma_start3A_203 = arith.constant 96 : i32
    %dma_start3A_204 = arith.constant 0 : i32
    %dma_start3A_205 = tpu.memref_slice %arg11[%dma_start3A_203, %dma_start3A_204] : memref<320x128xf32, #tpu.memory_space<vmem>> -> memref<32x128xf32, #tpu.memory_space<vmem>>
    %dma_start3A_206 = arith.constant 0 : i32
    %dma_start3A_207 = tpu.memref_slice %arg9[%add3A_202, %dma_start3A_206] : memref<10240x128xf32, #tpu.memory_space<hbm>> -> memref<32x128xf32, #tpu.memory_space<hbm>>
    %dma_start3A_208 = arith.constant 0 : i32
    %dma_start3A_209 = tpu.memref_slice %arg9[%add3A_202, %dma_start3A_208] : memref<10240x128xf32, #tpu.memory_space<hbm>> -> memref<32x128xf32, #tpu.memory_space<hbm>>
    %dma_start3A_210 = arith.constant 96 : i32
    %dma_start3A_211 = arith.constant 0 : i32
    %dma_start3A_212 = tpu.memref_slice %arg11[%dma_start3A_210, %dma_start3A_211] : memref<320x128xf32, #tpu.memory_space<vmem>> -> memref<32x128xf32, #tpu.memory_space<vmem>>
    tpu.enqueue_dma source(%dma_start3A_212 : memref<32x128xf32, #tpu.memory_space<vmem>>) target(%dma_start3A_209 : memref<32x128xf32, #tpu.memory_space<hbm>>) target_semaphore(%arg18 : memref<!tpu.dma_semaphore, #tpu.memory_space<semaphore_mem>>)
    %mul3A_213 = arith.constant 32 : i32
    %mul3A_214 = arith.muli %add3A, %mul3A_213 : i32
    %add3A_215 = arith.constant 4096 : i32
    %add3A_216 = arith.addi %add3A_215, %mul3A_214 : i32
    %dma_start3A_217 = arith.constant 128 : i32
    %dma_start3A_218 = arith.constant 0 : i32
    %dma_start3A_219 = tpu.memref_slice %arg11[%dma_start3A_217, %dma_start3A_218] : memref<320x128xf32, #tpu.memory_space<vmem>> -> memref<32x128xf32, #tpu.memory_space<vmem>>
    %dma_start3A_220 = arith.constant 0 : i32
    %dma_start3A_221 = tpu.memref_slice %arg9[%add3A_216, %dma_start3A_220] : memref<10240x128xf32, #tpu.memory_space<hbm>> -> memref<32x128xf32, #tpu.memory_space<hbm>>
    %dma_start3A_222 = arith.constant 0 : i32
    %dma_start3A_223 = tpu.memref_slice %arg9[%add3A_216, %dma_start3A_222] : memref<10240x128xf32, #tpu.memory_space<hbm>> -> memref<32x128xf32, #tpu.memory_space<hbm>>
    %dma_start3A_224 = arith.constant 128 : i32
    %dma_start3A_225 = arith.constant 0 : i32
    %dma_start3A_226 = tpu.memref_slice %arg11[%dma_start3A_224, %dma_start3A_225] : memref<320x128xf32, #tpu.memory_space<vmem>> -> memref<32x128xf32, #tpu.memory_space<vmem>>
    tpu.enqueue_dma source(%dma_start3A_226 : memref<32x128xf32, #tpu.memory_space<vmem>>) target(%dma_start3A_223 : memref<32x128xf32, #tpu.memory_space<hbm>>) target_semaphore(%arg18 : memref<!tpu.dma_semaphore, #tpu.memory_space<semaphore_mem>>)
    %mul3A_227 = arith.constant 32 : i32
    %mul3A_228 = arith.muli %add3A, %mul3A_227 : i32
    %add3A_229 = arith.constant 5120 : i32
    %add3A_230 = arith.addi %add3A_229, %mul3A_228 : i32
    %dma_start3A_231 = arith.constant 160 : i32
    %dma_start3A_232 = arith.constant 0 : i32
    %dma_start3A_233 = tpu.memref_slice %arg11[%dma_start3A_231, %dma_start3A_232] : memref<320x128xf32, #tpu.memory_space<vmem>> -> memref<32x128xf32, #tpu.memory_space<vmem>>
    %dma_start3A_234 = arith.constant 0 : i32
    %dma_start3A_235 = tpu.memref_slice %arg9[%add3A_230, %dma_start3A_234] : memref<10240x128xf32, #tpu.memory_space<hbm>> -> memref<32x128xf32, #tpu.memory_space<hbm>>
    %dma_start3A_236 = arith.constant 0 : i32
    %dma_start3A_237 = tpu.memref_slice %arg9[%add3A_230, %dma_start3A_236] : memref<10240x128xf32, #tpu.memory_space<hbm>> -> memref<32x128xf32, #tpu.memory_space<hbm>>
    %dma_start3A_238 = arith.constant 160 : i32
    %dma_start3A_239 = arith.constant 0 : i32
    %dma_start3A_240 = tpu.memref_slice %arg11[%dma_start3A_238, %dma_start3A_239] : memref<320x128xf32, #tpu.memory_space<vmem>> -> memref<32x128xf32, #tpu.memory_space<vmem>>
    tpu.enqueue_dma source(%dma_start3A_240 : memref<32x128xf32, #tpu.memory_space<vmem>>) target(%dma_start3A_237 : memref<32x128xf32, #tpu.memory_space<hbm>>) target_semaphore(%arg18 : memref<!tpu.dma_semaphore, #tpu.memory_space<semaphore_mem>>)
    %mul3A_241 = arith.constant 32 : i32
    %mul3A_242 = arith.muli %add3A, %mul3A_241 : i32
    %add3A_243 = arith.constant 6144 : i32
    %add3A_244 = arith.addi %add3A_243, %mul3A_242 : i32
    %dma_start3A_245 = arith.constant 192 : i32
    %dma_start3A_246 = arith.constant 0 : i32
    %dma_start3A_247 = tpu.memref_slice %arg11[%dma_start3A_245, %dma_start3A_246] : memref<320x128xf32, #tpu.memory_space<vmem>> -> memref<32x128xf32, #tpu.memory_space<vmem>>
    %dma_start3A_248 = arith.constant 0 : i32
    %dma_start3A_249 = tpu.memref_slice %arg9[%add3A_244, %dma_start3A_248] : memref<10240x128xf32, #tpu.memory_space<hbm>> -> memref<32x128xf32, #tpu.memory_space<hbm>>
    %dma_start3A_250 = arith.constant 0 : i32
    %dma_start3A_251 = tpu.memref_slice %arg9[%add3A_244, %dma_start3A_250] : memref<10240x128xf32, #tpu.memory_space<hbm>> -> memref<32x128xf32, #tpu.memory_space<hbm>>
    %dma_start3A_252 = arith.constant 192 : i32
    %dma_start3A_253 = arith.constant 0 : i32
    %dma_start3A_254 = tpu.memref_slice %arg11[%dma_start3A_252, %dma_start3A_253] : memref<320x128xf32, #tpu.memory_space<vmem>> -> memref<32x128xf32, #tpu.memory_space<vmem>>
    tpu.enqueue_dma source(%dma_start3A_254 : memref<32x128xf32, #tpu.memory_space<vmem>>) target(%dma_start3A_251 : memref<32x128xf32, #tpu.memory_space<hbm>>) target_semaphore(%arg18 : memref<!tpu.dma_semaphore, #tpu.memory_space<semaphore_mem>>)
    %mul3A_255 = arith.constant 32 : i32
    %mul3A_256 = arith.muli %add3A, %mul3A_255 : i32
    %add3A_257 = arith.constant 7168 : i32
    %add3A_258 = arith.addi %add3A_257, %mul3A_256 : i32
    %dma_start3A_259 = arith.constant 224 : i32
    %dma_start3A_260 = arith.constant 0 : i32
    %dma_start3A_261 = tpu.memref_slice %arg11[%dma_start3A_259, %dma_start3A_260] : memref<320x128xf32, #tpu.memory_space<vmem>> -> memref<32x128xf32, #tpu.memory_space<vmem>>
    %dma_start3A_262 = arith.constant 0 : i32
    %dma_start3A_263 = tpu.memref_slice %arg9[%add3A_258, %dma_start3A_262] : memref<10240x128xf32, #tpu.memory_space<hbm>> -> memref<32x128xf32, #tpu.memory_space<hbm>>
    %dma_start3A_264 = arith.constant 0 : i32
    %dma_start3A_265 = tpu.memref_slice %arg9[%add3A_258, %dma_start3A_264] : memref<10240x128xf32, #tpu.memory_space<hbm>> -> memref<32x128xf32, #tpu.memory_space<hbm>>
    %dma_start3A_266 = arith.constant 224 : i32
    %dma_start3A_267 = arith.constant 0 : i32
    %dma_start3A_268 = tpu.memref_slice %arg11[%dma_start3A_266, %dma_start3A_267] : memref<320x128xf32, #tpu.memory_space<vmem>> -> memref<32x128xf32, #tpu.memory_space<vmem>>
    tpu.enqueue_dma source(%dma_start3A_268 : memref<32x128xf32, #tpu.memory_space<vmem>>) target(%dma_start3A_265 : memref<32x128xf32, #tpu.memory_space<hbm>>) target_semaphore(%arg18 : memref<!tpu.dma_semaphore, #tpu.memory_space<semaphore_mem>>)
    %mul3A_269 = arith.constant 32 : i32
    %mul3A_270 = arith.muli %add3A, %mul3A_269 : i32
    %add3A_271 = arith.constant 8192 : i32
    %add3A_272 = arith.addi %add3A_271, %mul3A_270 : i32
    %dma_start3A_273 = arith.constant 256 : i32
    %dma_start3A_274 = arith.constant 0 : i32
    %dma_start3A_275 = tpu.memref_slice %arg11[%dma_start3A_273, %dma_start3A_274] : memref<320x128xf32, #tpu.memory_space<vmem>> -> memref<32x128xf32, #tpu.memory_space<vmem>>
    %dma_start3A_276 = arith.constant 0 : i32
    %dma_start3A_277 = tpu.memref_slice %arg9[%add3A_272, %dma_start3A_276] : memref<10240x128xf32, #tpu.memory_space<hbm>> -> memref<32x128xf32, #tpu.memory_space<hbm>>
    %dma_start3A_278 = arith.constant 0 : i32
    %dma_start3A_279 = tpu.memref_slice %arg9[%add3A_272, %dma_start3A_278] : memref<10240x128xf32, #tpu.memory_space<hbm>> -> memref<32x128xf32, #tpu.memory_space<hbm>>
    %dma_start3A_280 = arith.constant 256 : i32
    %dma_start3A_281 = arith.constant 0 : i32
    %dma_start3A_282 = tpu.memref_slice %arg11[%dma_start3A_280, %dma_start3A_281] : memref<320x128xf32, #tpu.memory_space<vmem>> -> memref<32x128xf32, #tpu.memory_space<vmem>>
    tpu.enqueue_dma source(%dma_start3A_282 : memref<32x128xf32, #tpu.memory_space<vmem>>) target(%dma_start3A_279 : memref<32x128xf32, #tpu.memory_space<hbm>>) target_semaphore(%arg18 : memref<!tpu.dma_semaphore, #tpu.memory_space<semaphore_mem>>)
    %mul3A_283 = arith.constant 32 : i32
    %mul3A_284 = arith.muli %add3A, %mul3A_283 : i32
    %add3A_285 = arith.constant 9216 : i32
    %add3A_286 = arith.addi %add3A_285, %mul3A_284 : i32
    %dma_start3A_287 = arith.constant 288 : i32
    %dma_start3A_288 = arith.constant 0 : i32
    %dma_start3A_289 = tpu.memref_slice %arg11[%dma_start3A_287, %dma_start3A_288] : memref<320x128xf32, #tpu.memory_space<vmem>> -> memref<32x128xf32, #tpu.memory_space<vmem>>
    %dma_start3A_290 = arith.constant 0 : i32
    %dma_start3A_291 = tpu.memref_slice %arg9[%add3A_286, %dma_start3A_290] : memref<10240x128xf32, #tpu.memory_space<hbm>> -> memref<32x128xf32, #tpu.memory_space<hbm>>
    %dma_start3A_292 = arith.constant 0 : i32
    %dma_start3A_293 = tpu.memref_slice %arg9[%add3A_286, %dma_start3A_292] : memref<10240x128xf32, #tpu.memory_space<hbm>> -> memref<32x128xf32, #tpu.memory_space<hbm>>
    %dma_start3A_294 = arith.constant 288 : i32
    %dma_start3A_295 = arith.constant 0 : i32
    %dma_start3A_296 = tpu.memref_slice %arg11[%dma_start3A_294, %dma_start3A_295] : memref<320x128xf32, #tpu.memory_space<vmem>> -> memref<32x128xf32, #tpu.memory_space<vmem>>
    tpu.enqueue_dma source(%dma_start3A_296 : memref<32x128xf32, #tpu.memory_space<vmem>>) target(%dma_start3A_293 : memref<32x128xf32, #tpu.memory_space<hbm>>) target_semaphore(%arg18 : memref<!tpu.dma_semaphore, #tpu.memory_space<semaphore_mem>>)
    %scan3A = arith.constant 0 : i32
    %scan3A_297 = arith.constant 0 : i32
    %scan3A_298 = arith.constant 256 : i32
    %scan3A_299 = arith.addi %scan3A_297, %scan3A_298 : i32
    %scan3A_300 = arith.constant 1 : i32
    scf.for %scan3A_416 = %scan3A_297 to %scan3A_299 step %scan3A_300  : i32 {
      %jit3A = arith.constant 8 : i32
      %div3A = arith.divsi %scan3A_416, %jit3A : i32
      %sign3A = arith.constant 0 : i32
      %sign3A_417 = arith.cmpi sgt, %scan3A_416, %sign3A : i32
      %sign3A_418 = arith.extui %sign3A_417 : i1 to i32
      %sign3A_419 = arith.constant 0 : i32
      %sign3A_420 = arith.cmpi slt, %scan3A_416, %sign3A_419 : i32
      %sign3A_421 = arith.extui %sign3A_420 : i1 to i32
      %sign3A_422 = arith.subi %sign3A_418, %sign3A_421 : i32
      %sign3A_423 = arith.constant 0 : i32
      %sign3A_424 = arith.cmpi sgt, %jit3A, %sign3A_423 : i32
      %sign3A_425 = arith.extui %sign3A_424 : i1 to i32
      %sign3A_426 = arith.constant 0 : i32
      %sign3A_427 = arith.cmpi slt, %jit3A, %sign3A_426 : i32
      %sign3A_428 = arith.extui %sign3A_427 : i1 to i32
      %sign3A_429 = arith.subi %sign3A_425, %sign3A_428 : i32
      %ne3A = arith.cmpi ne, %sign3A_422, %sign3A_429 : i32
      %rem3A = arith.remsi %scan3A_416, %jit3A : i32
      %ne3A_430 = arith.constant 0 : i32
      %ne3A_431 = arith.cmpi ne, %rem3A, %ne3A_430 : i32
      %and3A = arith.andi %ne3A, %ne3A_431 : i1
      %sub3A = arith.constant 1 : i32
      %sub3A_432 = arith.subi %div3A, %sub3A : i32
      %select_n3A = arith.select %and3A, %sub3A_432, %div3A : i32
      %jit3A_433 = arith.constant 8 : i32
      %eq3A = arith.constant 0 : i32
      %eq3A_434 = arith.cmpi eq, %jit3A_433, %eq3A : i32
      %jit3A_435 = arith.constant 1 : i32
      %select_n3A_436 = arith.select %eq3A_434, %jit3A_435, %jit3A_433 : i32
      %rem3A_437 = arith.remsi %scan3A_416, %select_n3A_436 : i32
      %ne3A_438 = arith.constant 0 : i32
      %ne3A_439 = arith.cmpi ne, %rem3A_437, %ne3A_438 : i32
      %lt3A = arith.constant 0 : i32
      %lt3A_440 = arith.cmpi slt, %rem3A_437, %lt3A : i32
      %lt3A_441 = arith.constant 0 : i32
      %lt3A_442 = arith.cmpi slt, %select_n3A_436, %lt3A_441 : i32
      %ne3A_443 = arith.xori %lt3A_440, %lt3A_442 : i1
      %and3A_444 = arith.andi %ne3A_443, %ne3A_439 : i1
      %add3A_445 = arith.addi %rem3A_437, %select_n3A_436 : i32
      %select_n3A_446 = arith.select %and3A_444, %add3A_445, %rem3A_437 : i32
      %broadcast_in_dim3A = arith.constant 0.000000e+00 : f32
      %broadcast_in_dim3A_447 = vector.broadcast %broadcast_in_dim3A : f32 to vector<16xf32>
      %mul3A_448 = arith.constant 10 : i32
      %mul3A_449 = arith.muli %select_n3A, %mul3A_448 : i32
      %add3A_450 = arith.constant 0 : i32
      %add3A_451 = arith.addi %mul3A_449, %add3A_450 : i32
      %mul3A_452 = arith.constant 16 : i32
      %mul3A_453 = arith.muli %select_n3A_446, %mul3A_452 : i32
      %get3A = arith.index_cast %add3A_451 : i32 to index
      %get3A_454 = arith.index_cast %mul3A_453 : i32 to index
      %get3A_455 = tpu.vector_load %arg10[%get3A, %get3A_454] {strides = array<i32>} : memref<320x128xf32, #tpu.memory_space<vmem>>, vector<16xf32>,
      %add3A_456 = arith.addf %broadcast_in_dim3A_447, %get3A_455 : vector<16xf32>
      %mul3A_457 = arith.constant 10 : i32
      %mul3A_458 = arith.muli %select_n3A, %mul3A_457 : i32
      %add3A_459 = arith.constant 1 : i32
      %add3A_460 = arith.addi %mul3A_458, %add3A_459 : i32
      %mul3A_461 = arith.constant 16 : i32
      %mul3A_462 = arith.muli %select_n3A_446, %mul3A_461 : i32
      %get3A_463 = arith.index_cast %add3A_460 : i32 to index
      %get3A_464 = arith.index_cast %mul3A_462 : i32 to index
      %get3A_465 = tpu.vector_load %arg10[%get3A_463, %get3A_464] {strides = array<i32>} : memref<320x128xf32, #tpu.memory_space<vmem>>, vector<16xf32>,
      %add3A_466 = arith.addf %add3A_456, %get3A_465 : vector<16xf32>
      %mul3A_467 = arith.constant 10 : i32
      %mul3A_468 = arith.muli %select_n3A, %mul3A_467 : i32
      %add3A_469 = arith.constant 2 : i32
      %add3A_470 = arith.addi %mul3A_468, %add3A_469 : i32
      %mul3A_471 = arith.constant 16 : i32
      %mul3A_472 = arith.muli %select_n3A_446, %mul3A_471 : i32
      %get3A_473 = arith.index_cast %add3A_470 : i32 to index
      %get3A_474 = arith.index_cast %mul3A_472 : i32 to index
      %get3A_475 = tpu.vector_load %arg10[%get3A_473, %get3A_474] {strides = array<i32>} : memref<320x128xf32, #tpu.memory_space<vmem>>, vector<16xf32>,
      %add3A_476 = arith.addf %add3A_466, %get3A_475 : vector<16xf32>
      %mul3A_477 = arith.constant 10 : i32
      %mul3A_478 = arith.muli %select_n3A, %mul3A_477 : i32
      %add3A_479 = arith.constant 3 : i32
      %add3A_480 = arith.addi %mul3A_478, %add3A_479 : i32
      %mul3A_481 = arith.constant 16 : i32
      %mul3A_482 = arith.muli %select_n3A_446, %mul3A_481 : i32
      %get3A_483 = arith.index_cast %add3A_480 : i32 to index
      %get3A_484 = arith.index_cast %mul3A_482 : i32 to index
      %get3A_485 = tpu.vector_load %arg10[%get3A_483, %get3A_484] {strides = array<i32>} : memref<320x128xf32, #tpu.memory_space<vmem>>, vector<16xf32>,
      %add3A_486 = arith.addf %add3A_476, %get3A_485 : vector<16xf32>
      %mul3A_487 = arith.constant 10 : i32
      %mul3A_488 = arith.muli %select_n3A, %mul3A_487 : i32
      %add3A_489 = arith.constant 4 : i32
      %add3A_490 = arith.addi %mul3A_488, %add3A_489 : i32
      %mul3A_491 = arith.constant 16 : i32
      %mul3A_492 = arith.muli %select_n3A_446, %mul3A_491 : i32
      %get3A_493 = arith.index_cast %add3A_490 : i32 to index
      %get3A_494 = arith.index_cast %mul3A_492 : i32 to index
      %get3A_495 = tpu.vector_load %arg10[%get3A_493, %get3A_494] {strides = array<i32>} : memref<320x128xf32, #tpu.memory_space<vmem>>, vector<16xf32>,
      %add3A_496 = arith.addf %add3A_486, %get3A_495 : vector<16xf32>
      %mul3A_497 = arith.constant 10 : i32
      %mul3A_498 = arith.muli %select_n3A, %mul3A_497 : i32
      %add3A_499 = arith.constant 5 : i32
      %add3A_500 = arith.addi %mul3A_498, %add3A_499 : i32
      %mul3A_501 = arith.constant 16 : i32
      %mul3A_502 = arith.muli %select_n3A_446, %mul3A_501 : i32
      %get3A_503 = arith.index_cast %add3A_500 : i32 to index
      %get3A_504 = arith.index_cast %mul3A_502 : i32 to index
      %get3A_505 = tpu.vector_load %arg10[%get3A_503, %get3A_504] {strides = array<i32>} : memref<320x128xf32, #tpu.memory_space<vmem>>, vector<16xf32>,
      %add3A_506 = arith.addf %add3A_496, %get3A_505 : vector<16xf32>
      %mul3A_507 = arith.constant 10 : i32
      %mul3A_508 = arith.muli %select_n3A, %mul3A_507 : i32
      %add3A_509 = arith.constant 6 : i32
      %add3A_510 = arith.addi %mul3A_508, %add3A_509 : i32
      %mul3A_511 = arith.constant 16 : i32
      %mul3A_512 = arith.muli %select_n3A_446, %mul3A_511 : i32
      %get3A_513 = arith.index_cast %add3A_510 : i32 to index
      %get3A_514 = arith.index_cast %mul3A_512 : i32 to index
      %get3A_515 = tpu.vector_load %arg10[%get3A_513, %get3A_514] {strides = array<i32>} : memref<320x128xf32, #tpu.memory_space<vmem>>, vector<16xf32>,
      %add3A_516 = arith.addf %add3A_506, %get3A_515 : vector<16xf32>
      %mul3A_517 = arith.constant 10 : i32
      %mul3A_518 = arith.muli %select_n3A, %mul3A_517 : i32
      %add3A_519 = arith.constant 7 : i32
      %add3A_520 = arith.addi %mul3A_518, %add3A_519 : i32
      %mul3A_521 = arith.constant 16 : i32
      %mul3A_522 = arith.muli %select_n3A_446, %mul3A_521 : i32
      %get3A_523 = arith.index_cast %add3A_520 : i32 to index
      %get3A_524 = arith.index_cast %mul3A_522 : i32 to index
      %get3A_525 = tpu.vector_load %arg10[%get3A_523, %get3A_524] {strides = array<i32>} : memref<320x128xf32, #tpu.memory_space<vmem>>, vector<16xf32>,
      %add3A_526 = arith.addf %add3A_516, %get3A_525 : vector<16xf32>
      %mul3A_527 = arith.constant 10 : i32
      %mul3A_528 = arith.muli %select_n3A, %mul3A_527 : i32
      %add3A_529 = arith.constant 8 : i32
      %add3A_530 = arith.addi %mul3A_528, %add3A_529 : i32
      %mul3A_531 = arith.constant 16 : i32
      %mul3A_532 = arith.muli %select_n3A_446, %mul3A_531 : i32
      %get3A_533 = arith.index_cast %add3A_530 : i32 to index
      %get3A_534 = arith.index_cast %mul3A_532 : i32 to index
      %get3A_535 = tpu.vector_load %arg10[%get3A_533, %get3A_534] {strides = array<i32>} : memref<320x128xf32, #tpu.memory_space<vmem>>, vector<16xf32>,
      %add3A_536 = arith.addf %add3A_526, %get3A_535 : vector<16xf32>
      %mul3A_537 = arith.constant 10 : i32
      %mul3A_538 = arith.muli %select_n3A, %mul3A_537 : i32
      %add3A_539 = arith.constant 9 : i32
      %add3A_540 = arith.addi %mul3A_538, %add3A_539 : i32
      %mul3A_541 = arith.constant 16 : i32
      %mul3A_542 = arith.muli %select_n3A_446, %mul3A_541 : i32
      %get3A_543 = arith.index_cast %add3A_540 : i32 to index
      %get3A_544 = arith.index_cast %mul3A_542 : i32 to index
      %get3A_545 = tpu.vector_load %arg10[%get3A_543, %get3A_544] {strides = array<i32>} : memref<320x128xf32, #tpu.memory_space<vmem>>, vector<16xf32>,
      %add3A_546 = arith.addf %add3A_536, %get3A_545 : vector<16xf32>
      %mul3A_547 = arith.constant 16 : i32
      %mul3A_548 = arith.muli %select_n3A_446, %mul3A_547 : i32
      %swap3A = arith.index_cast %select_n3A : i32 to index
      %swap3A_549 = arith.index_cast %mul3A_548 : i32 to index
      %swap3A_550 = tpu.vector_load %arg13[%swap3A, %swap3A_549] {strides = array<i32>} : memref<32x128xf32, #tpu.memory_space<vmem>>, vector<16xf32>,
      tpu.vector_store %arg13[%swap3A, %swap3A_549], %add3A_546 {strides = array<i32>} : memref<32x128xf32, #tpu.memory_space<vmem>>, vector<16xf32>,
    }
    %scan3A_301 = arith.constant 256 : i32
    %mul3A_302 = arith.constant 32 : i32
    %mul3A_303 = arith.muli %add3A, %mul3A_302 : i32
    %dma_start3A_304 = arith.constant 0 : i32
    %dma_start3A_305 = tpu.memref_slice %arg7[%mul3A_303, %dma_start3A_304] : memref<1024x128xf32, #tpu.memory_space<hbm>> -> memref<32x128xf32, #tpu.memory_space<hbm>>
    %dma_start3A_306 = arith.constant 0 : i32
    %dma_start3A_307 = tpu.memref_slice %arg7[%mul3A_303, %dma_start3A_306] : memref<1024x128xf32, #tpu.memory_space<hbm>> -> memref<32x128xf32, #tpu.memory_space<hbm>>
    tpu.enqueue_dma source(%arg13 : memref<32x128xf32, #tpu.memory_space<vmem>>) target(%dma_start3A_307 : memref<32x128xf32, #tpu.memory_space<hbm>>) target_semaphore(%arg17 : memref<!tpu.dma_semaphore, #tpu.memory_space<semaphore_mem>>)
    %dma_wait3A_308 = arith.constant 0 : i32
    %dma_wait3A_309 = tpu.memref_slice %arg8[%mul3A_88, %dma_wait3A_308] : memref<1024x128xf32, #tpu.memory_space<hbm>> -> memref<32x128xf32, #tpu.memory_space<hbm>>
    %dma_wait3A_310 = arith.constant 0 : i32
    %dma_wait3A_311 = tpu.memref_slice %arg8[%mul3A_88, %dma_wait3A_310] : memref<1024x128xf32, #tpu.memory_space<hbm>> -> memref<32x128xf32, #tpu.memory_space<hbm>>
    tpu.wait_dma2 semaphore(%arg19 : memref<!tpu.dma_semaphore, #tpu.memory_space<semaphore_mem>>) src(%arg12 : memref<32x128xf32, #tpu.memory_space<vmem>>) dst(%dma_wait3A_311 : memref<32x128xf32, #tpu.memory_space<hbm>>)
    %dma_wait3A_312 = arith.constant 0 : i32
    %dma_wait3A_313 = arith.constant 0 : i32
    %dma_wait3A_314 = tpu.memref_slice %arg11[%dma_wait3A_312, %dma_wait3A_313] : memref<320x128xf32, #tpu.memory_space<vmem>> -> memref<32x128xf32, #tpu.memory_space<vmem>>
    %dma_wait3A_315 = arith.constant 0 : i32
    %dma_wait3A_316 = tpu.memref_slice %arg9[%add3A_160, %dma_wait3A_315] : memref<10240x128xf32, #tpu.memory_space<hbm>> -> memref<32x128xf32, #tpu.memory_space<hbm>>
    %dma_wait3A_317 = arith.constant 0 : i32
    %dma_wait3A_318 = tpu.memref_slice %arg9[%add3A_160, %dma_wait3A_317] : memref<10240x128xf32, #tpu.memory_space<hbm>> -> memref<32x128xf32, #tpu.memory_space<hbm>>
    %dma_wait3A_319 = arith.constant 0 : i32
    %dma_wait3A_320 = arith.constant 0 : i32
    %dma_wait3A_321 = tpu.memref_slice %arg11[%dma_wait3A_319, %dma_wait3A_320] : memref<320x128xf32, #tpu.memory_space<vmem>> -> memref<32x128xf32, #tpu.memory_space<vmem>>
    tpu.wait_dma2 semaphore(%arg18 : memref<!tpu.dma_semaphore, #tpu.memory_space<semaphore_mem>>) src(%dma_wait3A_321 : memref<32x128xf32, #tpu.memory_space<vmem>>) dst(%dma_wait3A_318 : memref<32x128xf32, #tpu.memory_space<hbm>>)
    %dma_wait3A_322 = arith.constant 32 : i32
    %dma_wait3A_323 = arith.constant 0 : i32
    %dma_wait3A_324 = tpu.memref_slice %arg11[%dma_wait3A_322, %dma_wait3A_323] : memref<320x128xf32, #tpu.memory_space<vmem>> -> memref<32x128xf32, #tpu.memory_space<vmem>>
    %dma_wait3A_325 = arith.constant 0 : i32
    %dma_wait3A_326 = tpu.memref_slice %arg9[%add3A_174, %dma_wait3A_325] : memref<10240x128xf32, #tpu.memory_space<hbm>> -> memref<32x128xf32, #tpu.memory_space<hbm>>
    %dma_wait3A_327 = arith.constant 0 : i32
    %dma_wait3A_328 = tpu.memref_slice %arg9[%add3A_174, %dma_wait3A_327] : memref<10240x128xf32, #tpu.memory_space<hbm>> -> memref<32x128xf32, #tpu.memory_space<hbm>>
    %dma_wait3A_329 = arith.constant 32 : i32
    %dma_wait3A_330 = arith.constant 0 : i32
    %dma_wait3A_331 = tpu.memref_slice %arg11[%dma_wait3A_329, %dma_wait3A_330] : memref<320x128xf32, #tpu.memory_space<vmem>> -> memref<32x128xf32, #tpu.memory_space<vmem>>
    tpu.wait_dma2 semaphore(%arg18 : memref<!tpu.dma_semaphore, #tpu.memory_space<semaphore_mem>>) src(%dma_wait3A_331 : memref<32x128xf32, #tpu.memory_space<vmem>>) dst(%dma_wait3A_328 : memref<32x128xf32, #tpu.memory_space<hbm>>)
    %dma_wait3A_332 = arith.constant 64 : i32
    %dma_wait3A_333 = arith.constant 0 : i32
    %dma_wait3A_334 = tpu.memref_slice %arg11[%dma_wait3A_332, %dma_wait3A_333] : memref<320x128xf32, #tpu.memory_space<vmem>> -> memref<32x128xf32, #tpu.memory_space<vmem>>
    %dma_wait3A_335 = arith.constant 0 : i32
    %dma_wait3A_336 = tpu.memref_slice %arg9[%add3A_188, %dma_wait3A_335] : memref<10240x128xf32, #tpu.memory_space<hbm>> -> memref<32x128xf32, #tpu.memory_space<hbm>>
    %dma_wait3A_337 = arith.constant 0 : i32
    %dma_wait3A_338 = tpu.memref_slice %arg9[%add3A_188, %dma_wait3A_337] : memref<10240x128xf32, #tpu.memory_space<hbm>> -> memref<32x128xf32, #tpu.memory_space<hbm>>
    %dma_wait3A_339 = arith.constant 64 : i32
    %dma_wait3A_340 = arith.constant 0 : i32
    %dma_wait3A_341 = tpu.memref_slice %arg11[%dma_wait3A_339, %dma_wait3A_340] : memref<320x128xf32, #tpu.memory_space<vmem>> -> memref<32x128xf32, #tpu.memory_space<vmem>>
    tpu.wait_dma2 semaphore(%arg18 : memref<!tpu.dma_semaphore, #tpu.memory_space<semaphore_mem>>) src(%dma_wait3A_341 : memref<32x128xf32, #tpu.memory_space<vmem>>) dst(%dma_wait3A_338 : memref<32x128xf32, #tpu.memory_space<hbm>>)
    %dma_wait3A_342 = arith.constant 96 : i32
    %dma_wait3A_343 = arith.constant 0 : i32
    %dma_wait3A_344 = tpu.memref_slice %arg11[%dma_wait3A_342, %dma_wait3A_343] : memref<320x128xf32, #tpu.memory_space<vmem>> -> memref<32x128xf32, #tpu.memory_space<vmem>>
    %dma_wait3A_345 = arith.constant 0 : i32
    %dma_wait3A_346 = tpu.memref_slice %arg9[%add3A_202, %dma_wait3A_345] : memref<10240x128xf32, #tpu.memory_space<hbm>> -> memref<32x128xf32, #tpu.memory_space<hbm>>
    %dma_wait3A_347 = arith.constant 0 : i32
    %dma_wait3A_348 = tpu.memref_slice %arg9[%add3A_202, %dma_wait3A_347] : memref<10240x128xf32, #tpu.memory_space<hbm>> -> memref<32x128xf32, #tpu.memory_space<hbm>>
    %dma_wait3A_349 = arith.constant 96 : i32
    %dma_wait3A_350 = arith.constant 0 : i32
    %dma_wait3A_351 = tpu.memref_slice %arg11[%dma_wait3A_349, %dma_wait3A_350] : memref<320x128xf32, #tpu.memory_space<vmem>> -> memref<32x128xf32, #tpu.memory_space<vmem>>
    tpu.wait_dma2 semaphore(%arg18 : memref<!tpu.dma_semaphore, #tpu.memory_space<semaphore_mem>>) src(%dma_wait3A_351 : memref<32x128xf32, #tpu.memory_space<vmem>>) dst(%dma_wait3A_348 : memref<32x128xf32, #tpu.memory_space<hbm>>)
    %dma_wait3A_352 = arith.constant 128 : i32
    %dma_wait3A_353 = arith.constant 0 : i32
    %dma_wait3A_354 = tpu.memref_slice %arg11[%dma_wait3A_352, %dma_wait3A_353] : memref<320x128xf32, #tpu.memory_space<vmem>> -> memref<32x128xf32, #tpu.memory_space<vmem>>
    %dma_wait3A_355 = arith.constant 0 : i32
    %dma_wait3A_356 = tpu.memref_slice %arg9[%add3A_216, %dma_wait3A_355] : memref<10240x128xf32, #tpu.memory_space<hbm>> -> memref<32x128xf32, #tpu.memory_space<hbm>>
    %dma_wait3A_357 = arith.constant 0 : i32
    %dma_wait3A_358 = tpu.memref_slice %arg9[%add3A_216, %dma_wait3A_357] : memref<10240x128xf32, #tpu.memory_space<hbm>> -> memref<32x128xf32, #tpu.memory_space<hbm>>
    %dma_wait3A_359 = arith.constant 128 : i32
    %dma_wait3A_360 = arith.constant 0 : i32
    %dma_wait3A_361 = tpu.memref_slice %arg11[%dma_wait3A_359, %dma_wait3A_360] : memref<320x128xf32, #tpu.memory_space<vmem>> -> memref<32x128xf32, #tpu.memory_space<vmem>>
    tpu.wait_dma2 semaphore(%arg18 : memref<!tpu.dma_semaphore, #tpu.memory_space<semaphore_mem>>) src(%dma_wait3A_361 : memref<32x128xf32, #tpu.memory_space<vmem>>) dst(%dma_wait3A_358 : memref<32x128xf32, #tpu.memory_space<hbm>>)
    %dma_wait3A_362 = arith.constant 160 : i32
    %dma_wait3A_363 = arith.constant 0 : i32
    %dma_wait3A_364 = tpu.memref_slice %arg11[%dma_wait3A_362, %dma_wait3A_363] : memref<320x128xf32, #tpu.memory_space<vmem>> -> memref<32x128xf32, #tpu.memory_space<vmem>>
    %dma_wait3A_365 = arith.constant 0 : i32
    %dma_wait3A_366 = tpu.memref_slice %arg9[%add3A_230, %dma_wait3A_365] : memref<10240x128xf32, #tpu.memory_space<hbm>> -> memref<32x128xf32, #tpu.memory_space<hbm>>
    %dma_wait3A_367 = arith.constant 0 : i32
    %dma_wait3A_368 = tpu.memref_slice %arg9[%add3A_230, %dma_wait3A_367] : memref<10240x128xf32, #tpu.memory_space<hbm>> -> memref<32x128xf32, #tpu.memory_space<hbm>>
    %dma_wait3A_369 = arith.constant 160 : i32
    %dma_wait3A_370 = arith.constant 0 : i32
    %dma_wait3A_371 = tpu.memref_slice %arg11[%dma_wait3A_369, %dma_wait3A_370] : memref<320x128xf32, #tpu.memory_space<vmem>> -> memref<32x128xf32, #tpu.memory_space<vmem>>
    tpu.wait_dma2 semaphore(%arg18 : memref<!tpu.dma_semaphore, #tpu.memory_space<semaphore_mem>>) src(%dma_wait3A_371 : memref<32x128xf32, #tpu.memory_space<vmem>>) dst(%dma_wait3A_368 : memref<32x128xf32, #tpu.memory_space<hbm>>)
    %dma_wait3A_372 = arith.constant 192 : i32
    %dma_wait3A_373 = arith.constant 0 : i32
    %dma_wait3A_374 = tpu.memref_slice %arg11[%dma_wait3A_372, %dma_wait3A_373] : memref<320x128xf32, #tpu.memory_space<vmem>> -> memref<32x128xf32, #tpu.memory_space<vmem>>
    %dma_wait3A_375 = arith.constant 0 : i32
    %dma_wait3A_376 = tpu.memref_slice %arg9[%add3A_244, %dma_wait3A_375] : memref<10240x128xf32, #tpu.memory_space<hbm>> -> memref<32x128xf32, #tpu.memory_space<hbm>>
    %dma_wait3A_377 = arith.constant 0 : i32
    %dma_wait3A_378 = tpu.memref_slice %arg9[%add3A_244, %dma_wait3A_377] : memref<10240x128xf32, #tpu.memory_space<hbm>> -> memref<32x128xf32, #tpu.memory_space<hbm>>
    %dma_wait3A_379 = arith.constant 192 : i32
    %dma_wait3A_380 = arith.constant 0 : i32
    %dma_wait3A_381 = tpu.memref_slice %arg11[%dma_wait3A_379, %dma_wait3A_380] : memref<320x128xf32, #tpu.memory_space<vmem>> -> memref<32x128xf32, #tpu.memory_space<vmem>>
    tpu.wait_dma2 semaphore(%arg18 : memref<!tpu.dma_semaphore, #tpu.memory_space<semaphore_mem>>) src(%dma_wait3A_381 : memref<32x128xf32, #tpu.memory_space<vmem>>) dst(%dma_wait3A_378 : memref<32x128xf32, #tpu.memory_space<hbm>>)
    %dma_wait3A_382 = arith.constant 224 : i32
    %dma_wait3A_383 = arith.constant 0 : i32
    %dma_wait3A_384 = tpu.memref_slice %arg11[%dma_wait3A_382, %dma_wait3A_383] : memref<320x128xf32, #tpu.memory_space<vmem>> -> memref<32x128xf32, #tpu.memory_space<vmem>>
    %dma_wait3A_385 = arith.constant 0 : i32
    %dma_wait3A_386 = tpu.memref_slice %arg9[%add3A_258, %dma_wait3A_385] : memref<10240x128xf32, #tpu.memory_space<hbm>> -> memref<32x128xf32, #tpu.memory_space<hbm>>
    %dma_wait3A_387 = arith.constant 0 : i32
    %dma_wait3A_388 = tpu.memref_slice %arg9[%add3A_258, %dma_wait3A_387] : memref<10240x128xf32, #tpu.memory_space<hbm>> -> memref<32x128xf32, #tpu.memory_space<hbm>>
    %dma_wait3A_389 = arith.constant 224 : i32
    %dma_wait3A_390 = arith.constant 0 : i32
    %dma_wait3A_391 = tpu.memref_slice %arg11[%dma_wait3A_389, %dma_wait3A_390] : memref<320x128xf32, #tpu.memory_space<vmem>> -> memref<32x128xf32, #tpu.memory_space<vmem>>
    tpu.wait_dma2 semaphore(%arg18 : memref<!tpu.dma_semaphore, #tpu.memory_space<semaphore_mem>>) src(%dma_wait3A_391 : memref<32x128xf32, #tpu.memory_space<vmem>>) dst(%dma_wait3A_388 : memref<32x128xf32, #tpu.memory_space<hbm>>)
    %dma_wait3A_392 = arith.constant 256 : i32
    %dma_wait3A_393 = arith.constant 0 : i32
    %dma_wait3A_394 = tpu.memref_slice %arg11[%dma_wait3A_392, %dma_wait3A_393] : memref<320x128xf32, #tpu.memory_space<vmem>> -> memref<32x128xf32, #tpu.memory_space<vmem>>
    %dma_wait3A_395 = arith.constant 0 : i32
    %dma_wait3A_396 = tpu.memref_slice %arg9[%add3A_272, %dma_wait3A_395] : memref<10240x128xf32, #tpu.memory_space<hbm>> -> memref<32x128xf32, #tpu.memory_space<hbm>>
    %dma_wait3A_397 = arith.constant 0 : i32
    %dma_wait3A_398 = tpu.memref_slice %arg9[%add3A_272, %dma_wait3A_397] : memref<10240x128xf32, #tpu.memory_space<hbm>> -> memref<32x128xf32, #tpu.memory_space<hbm>>
    %dma_wait3A_399 = arith.constant 256 : i32
    %dma_wait3A_400 = arith.constant 0 : i32
    %dma_wait3A_401 = tpu.memref_slice %arg11[%dma_wait3A_399, %dma_wait3A_400] : memref<320x128xf32, #tpu.memory_space<vmem>> -> memref<32x128xf32, #tpu.memory_space<vmem>>
    tpu.wait_dma2 semaphore(%arg18 : memref<!tpu.dma_semaphore, #tpu.memory_space<semaphore_mem>>) src(%dma_wait3A_401 : memref<32x128xf32, #tpu.memory_space<vmem>>) dst(%dma_wait3A_398 : memref<32x128xf32, #tpu.memory_space<hbm>>)
    %dma_wait3A_402 = arith.constant 288 : i32
    %dma_wait3A_403 = arith.constant 0 : i32
    %dma_wait3A_404 = tpu.memref_slice %arg11[%dma_wait3A_402, %dma_wait3A_403] : memref<320x128xf32, #tpu.memory_space<vmem>> -> memref<32x128xf32, #tpu.memory_space<vmem>>
    %dma_wait3A_405 = arith.constant 0 : i32
    %dma_wait3A_406 = tpu.memref_slice %arg9[%add3A_286, %dma_wait3A_405] : memref<10240x128xf32, #tpu.memory_space<hbm>> -> memref<32x128xf32, #tpu.memory_space<hbm>>
    %dma_wait3A_407 = arith.constant 0 : i32
    %dma_wait3A_408 = tpu.memref_slice %arg9[%add3A_286, %dma_wait3A_407] : memref<10240x128xf32, #tpu.memory_space<hbm>> -> memref<32x128xf32, #tpu.memory_space<hbm>>
    %dma_wait3A_409 = arith.constant 288 : i32
    %dma_wait3A_410 = arith.constant 0 : i32
    %dma_wait3A_411 = tpu.memref_slice %arg11[%dma_wait3A_409, %dma_wait3A_410] : memref<320x128xf32, #tpu.memory_space<vmem>> -> memref<32x128xf32, #tpu.memory_space<vmem>>
    tpu.wait_dma2 semaphore(%arg18 : memref<!tpu.dma_semaphore, #tpu.memory_space<semaphore_mem>>) src(%dma_wait3A_411 : memref<32x128xf32, #tpu.memory_space<vmem>>) dst(%dma_wait3A_408 : memref<32x128xf32, #tpu.memory_space<hbm>>)
    %dma_wait3A_412 = arith.constant 0 : i32
    %dma_wait3A_413 = tpu.memref_slice %arg7[%mul3A_303, %dma_wait3A_412] : memref<1024x128xf32, #tpu.memory_space<hbm>> -> memref<32x128xf32, #tpu.memory_space<hbm>>
    %dma_wait3A_414 = arith.constant 0 : i32
    %dma_wait3A_415 = tpu.memref_slice %arg7[%mul3A_303, %dma_wait3A_414] : memref<1024x128xf32, #tpu.memory_space<hbm>> -> memref<32x128xf32, #tpu.memory_space<hbm>>
    tpu.wait_dma2 semaphore(%arg17 : memref<!tpu.dma_semaphore, #tpu.memory_space<semaphore_mem>>) src(%arg13 : memref<32x128xf32, #tpu.memory_space<vmem>>) dst(%dma_wait3A_415 : memref<32x128xf32, #tpu.memory_space<hbm>>)
    return
  }
}

module attributes {stable_mosaic.version = 14 : i64} {
  func.func @_reg_body(%arg0: i32, %arg1: memref<25000x128xf32, #tpu.memory_space<vmem>>, %arg2: memref<1x1xf32, #tpu.memory_space<vmem>>) attributes {dimension_semantics = [#tpu.dimension_semantics<arbitrary>], iteration_bounds = array<i64: 4>, scalar_prefetch = 0 : i64, scratch_operands = 0 : i64, tpu.core_type = #tpu.core_type<tc>, window_params = [{transform_indices = @transform_0, window_bounds = array<i64: 25000, 128>}, {pipeline_mode = #tpu.pipeline_mode<synchronous>, transform_indices = @transform_1, window_bounds = array<i64: 1, 1>}]} {
    %get3A = arith.constant 0 : index
    %get3A_0 = arith.constant 0 : index
    %get3A_1 = vector.load %arg1[%get3A, %get3A_0] : memref<25000x128xf32, #tpu.memory_space<vmem>>, vector<25000x128xf32>
    %mul3A = arith.mulf %get3A_1, %get3A_1 : vector<25000x128xf32>
    %reduce_sum3A = vector.shape_cast %mul3A : vector<25000x128xf32> to vector<1x25000x128xf32>
    %reduce_sum3A_2 = arith.constant dense<0.000000e+00> : vector<1xf32>
    %reduce_sum3A_3 = vector.multi_reduction <add>, %reduce_sum3A, %reduce_sum3A_2 [1, 2] : vector<1x25000x128xf32> to vector<1xf32>
    %reduce_sum3A_4 = vector.shape_cast %reduce_sum3A_3 : vector<1xf32> to vector<1x1x1xf32>
    %reduce_sum3A_5 = vector.extract %reduce_sum3A_4[0, 0, 0] : f32 from vector<1x1x1xf32>
    %eq3A = arith.constant 0 : i32
    %eq3A_6 = arith.cmpi eq, %arg0, %eq3A : i32
    %convert_element_type3A = arith.extui %eq3A_6 : i1 to i32
    %cond3A = arith.constant 0 : i32
    %cond3A_7 = arith.cmpi ne, %convert_element_type3A, %cond3A : i32
    scf.if %cond3A_7 {
      %broadcast_in_dim3A_13 = arith.constant 0.000000e+00 : f32
      %broadcast_in_dim3A_14 = vector.broadcast %broadcast_in_dim3A_13 : f32 to vector<1x1xf32>
      %swap3A_15 = arith.constant 0 : index
      %swap3A_16 = arith.constant 0 : index
      %swap3A_17 = vector.load %arg2[%swap3A_15, %swap3A_16] : memref<1x1xf32, #tpu.memory_space<vmem>>, vector<1x1xf32>
      tpu.vector_store %arg2[%swap3A_15, %swap3A_16], %broadcast_in_dim3A_14 {strides = array<i32>} : memref<1x1xf32, #tpu.memory_space<vmem>>, vector<1x1xf32>,
    } else {
    }
    %get3A_8 = arith.constant 0 : index
    %get3A_9 = arith.constant 0 : index
    %get3A_10 = vector.load %arg2[%get3A_8, %get3A_9] : memref<1x1xf32, #tpu.memory_space<vmem>>, vector<1x1xf32>
    %broadcast_in_dim3A = vector.broadcast %reduce_sum3A_5 : f32 to vector<1x1xf32>
    %add3A = arith.addf %get3A_10, %broadcast_in_dim3A : vector<1x1xf32>
    %swap3A = arith.constant 0 : index
    %swap3A_11 = arith.constant 0 : index
    %swap3A_12 = vector.load %arg2[%swap3A, %swap3A_11] : memref<1x1xf32, #tpu.memory_space<vmem>>, vector<1x1xf32>
    tpu.vector_store %arg2[%swap3A, %swap3A_11], %add3A {strides = array<i32>} : memref<1x1xf32, #tpu.memory_space<vmem>>, vector<1x1xf32>,
    return
  }
  func.func @transform_0(%arg0: i32) -> (i32, i32) {
    %c0_i32 = arith.constant 0 : i32
    %c0_i32_0 = arith.constant 0 : i32
    return %arg0, %c0_i32 : i32, i32
  }
  func.func @transform_1(%arg0: i32) -> (i32, i32) {
    %c0_i32 = arith.constant 0 : i32
    %c0_i32_0 = arith.constant 0 : i32
    %c0_i32_1 = arith.constant 0 : i32
    return %c0_i32, %c0_i32_0 : i32, i32
  }
}

module attributes {stable_mosaic.version = 14 : i64} {
  func.func @_tc_finish_body(%arg0: memref<1024x128xf32, #tpu.memory_space<vmem>>, %arg1: memref<1024x128xf32, #tpu.memory_space<vmem>>, %arg2: memref<10240x128xf32, #tpu.memory_space<vmem>>, %arg3: memref<1x1xf32, #tpu.memory_space<vmem>>, %arg4: memref<128x128xf32, #tpu.memory_space<vmem>>, %arg5: memref<1x128xf32, #tpu.memory_space<vmem>>, %arg6: memref<1x1xf32, #tpu.memory_space<vmem>>) attributes {dimension_semantics = [], scalar_prefetch = 0 : i64, scratch_operands = 0 : i64, tpu.core_type = #tpu.core_type<tc>} {
    %get3A = arith.constant 0 : index
    %get3A_0 = arith.constant 0 : index
    %get3A_1 = vector.load %arg0[%get3A, %get3A_0] : memref<1024x128xf32, #tpu.memory_space<vmem>>, vector<1024x128xf32>
    %mul3A = arith.constant 1.000000e-01 : f32
    %mul3A_2 = vector.broadcast %mul3A : f32 to vector<1024x128xf32>
    %mul3A_3 = arith.mulf %get3A_1, %mul3A_2 : vector<1024x128xf32>
    %mul3A_4 = arith.mulf %mul3A_3, %mul3A_3 : vector<1024x128xf32>
    %reduce_sum3A = arith.constant dense<0.000000e+00> : vector<1024xf32>
    %reduce_sum3A_5 = vector.multi_reduction <add>, %mul3A_4, %reduce_sum3A [1] : vector<1024x128xf32> to vector<1024xf32>
    %broadcast_in_dim3A = vector.shape_cast %reduce_sum3A_5 : vector<1024xf32> to vector<1024x1xf32>
    %sqrt3A = math.sqrt %broadcast_in_dim3A : vector<1024x1xf32>
    %div3A = vector.broadcast %sqrt3A : vector<1024x1xf32> to vector<1024x128xf32>
    %div3A_6 = arith.divf %mul3A_3, %div3A : vector<1024x128xf32>
    %get3A_7 = arith.constant 0 : index
    %get3A_8 = arith.constant 0 : index
    %get3A_9 = vector.load %arg4[%get3A_7, %get3A_8] : memref<128x128xf32, #tpu.memory_space<vmem>>, vector<128x128xf32>
    %dot_general3A = arith.constant dense<0.000000e+00> : vector<1024x128xf32>
    %dot_general3A_10 = tpu.matmul %div3A_6, %get3A_9, %dot_general3A {dimension_numbers = #tpu.dot_dimension_numbers<[1], [1], [0], [0], [0, 0, 1, 0], [], []>, transpose_lhs_hint = false} : vector<1024x128xf32>, vector<128x128xf32>, vector<1024x128xf32> -> vector<1024x128xf32>
    %reduce_sum3A_11 = arith.constant dense<0.000000e+00> : vector<128xf32>
    %reduce_sum3A_12 = vector.multi_reduction <add>, %dot_general3A_10, %reduce_sum3A_11 [0] : vector<1024x128xf32> to vector<128xf32>
    %broadcast_in_dim3A_13 = vector.shape_cast %reduce_sum3A_12 : vector<128xf32> to vector<1x128xf32>
    %div3A_14 = arith.constant 1.024000e+03 : f32
    %div3A_15 = vector.broadcast %div3A_14 : f32 to vector<1x128xf32>
    %div3A_16 = arith.divf %broadcast_in_dim3A_13, %div3A_15 : vector<1x128xf32>
    %sub3A = vector.broadcast %div3A_16 : vector<1x128xf32> to vector<1024x128xf32>
    %sub3A_17 = arith.subf %dot_general3A_10, %sub3A : vector<1024x128xf32>
    %integer_pow3A = arith.mulf %sub3A_17, %sub3A_17 : vector<1024x128xf32>
    %reduce_sum3A_18 = arith.constant dense<0.000000e+00> : vector<128xf32>
    %reduce_sum3A_19 = vector.multi_reduction <add>, %integer_pow3A, %reduce_sum3A_18 [0] : vector<1024x128xf32> to vector<128xf32>
    %broadcast_in_dim3A_20 = vector.shape_cast %reduce_sum3A_19 : vector<128xf32> to vector<1x128xf32>
    %div3A_21 = arith.constant 1.023000e+03 : f32
    %div3A_22 = vector.broadcast %div3A_21 : f32 to vector<1x128xf32>
    %div3A_23 = arith.divf %broadcast_in_dim3A_20, %div3A_22 : vector<1x128xf32>
    %sqrt3A_24 = math.sqrt %div3A_23 : vector<1x128xf32>
    %sub3A_25 = vector.broadcast %div3A_16 : vector<1x128xf32> to vector<1024x128xf32>
    %sub3A_26 = arith.subf %dot_general3A_10, %sub3A_25 : vector<1024x128xf32>
    %sqrt3A_27 = math.sqrt %sqrt3A_24 : vector<1x128xf32>
    %div3A_28 = vector.broadcast %sqrt3A_27 : vector<1x128xf32> to vector<1024x128xf32>
    %div3A_29 = arith.divf %sub3A_26, %div3A_28 : vector<1024x128xf32>
    %get3A_30 = arith.constant 0 : index
    %get3A_31 = arith.constant 0 : index
    %get3A_32 = vector.load %arg5[%get3A_30, %get3A_31] : memref<1x128xf32, #tpu.memory_space<vmem>>, vector<1x128xf32>
    %add3A = vector.broadcast %get3A_32 : vector<1x128xf32> to vector<1024x128xf32>
    %add3A_33 = arith.addf %div3A_29, %add3A : vector<1024x128xf32>
    %jit3A = arith.constant -1.000000e+00 : f32
    %jit3A_34 = arith.constant 1.000000e+00 : f32
    %max3A = vector.broadcast %jit3A : f32 to vector<1024x128xf32>
    %max3A_35 = arith.maximumf %max3A, %add3A_33 : vector<1024x128xf32>
    %min3A = vector.broadcast %jit3A_34 : f32 to vector<1024x128xf32>
    %min3A_36 = arith.minimumf %min3A, %max3A_35 : vector<1024x128xf32>
    %get3A_37 = arith.constant 0 : index
    %get3A_38 = arith.constant 0 : index
    %get3A_39 = vector.load %arg1[%get3A_37, %get3A_38] : memref<1024x128xf32, #tpu.memory_space<vmem>>, vector<1024x128xf32>
    %mul3A_40 = arith.mulf %min3A_36, %get3A_39 : vector<1024x128xf32>
    %reduce_sum3A_41 = arith.constant dense<0.000000e+00> : vector<1024xf32>
    %reduce_sum3A_42 = vector.multi_reduction <add>, %mul3A_40, %reduce_sum3A_41 [1] : vector<1024x128xf32> to vector<1024xf32>
    %broadcast_in_dim3A_43 = vector.shape_cast %reduce_sum3A_42 : vector<1024xf32> to vector<1024x1xf32>
    %neg3A = arith.constant 0.000000e+00 : f32
    %neg3A_44 = vector.broadcast %neg3A : f32 to vector<1024x1xf32>
    %neg3A_45 = arith.subf %neg3A_44, %broadcast_in_dim3A_43 : vector<1024x1xf32>
    %exp3A = math.exp %neg3A_45 : vector<1024x1xf32>
    %add3A_46 = arith.constant 1.000000e+00 : f32
    %add3A_47 = vector.broadcast %add3A_46 : f32 to vector<1024x1xf32>
    %add3A_48 = arith.addf %add3A_47, %exp3A : vector<1024x1xf32>
    %div3A_49 = arith.constant 1.000000e+00 : f32
    %div3A_50 = vector.broadcast %div3A_49 : f32 to vector<1024x1xf32>
    %div3A_51 = arith.divf %div3A_50, %add3A_48 : vector<1024x1xf32>
    %jit3A_52 = arith.constant -9.990000e-01 : f32
    %jit3A_53 = arith.constant 9.990000e-01 : f32
    %max3A_54 = vector.broadcast %jit3A_52 : f32 to vector<1024x1xf32>
    %max3A_55 = arith.maximumf %max3A_54, %div3A_51 : vector<1024x1xf32>
    %min3A_56 = vector.broadcast %jit3A_53 : f32 to vector<1024x1xf32>
    %min3A_57 = arith.minimumf %min3A_56, %max3A_55 : vector<1024x1xf32>
    %log3A = math.log %min3A_57 : vector<1024x1xf32>
    %mul3A_58 = arith.constant 1.000000e+01 : f32
    %mul3A_59 = vector.broadcast %mul3A_58 : f32 to vector<1024x1xf32>
    %mul3A_60 = arith.mulf %mul3A_59, %log3A : vector<1024x1xf32>
    %get3A_61 = arith.constant 0 : index
    %get3A_62 = arith.constant 0 : index
    %get3A_63 = vector.load %arg2[%get3A_61, %get3A_62] : memref<10240x128xf32, #tpu.memory_space<vmem>>, vector<1024x128xf32>
    %mul3A_64 = arith.mulf %min3A_36, %get3A_63 : vector<1024x128xf32>
    %reduce_sum3A_65 = arith.constant dense<0.000000e+00> : vector<1024xf32>
    %reduce_sum3A_66 = vector.multi_reduction <add>, %mul3A_64, %reduce_sum3A_65 [1] : vector<1024x128xf32> to vector<1024xf32>
    %broadcast_in_dim3A_67 = vector.shape_cast %reduce_sum3A_66 : vector<1024xf32> to vector<1024x1xf32>
    %neg3A_68 = arith.constant 0.000000e+00 : f32
    %neg3A_69 = vector.broadcast %neg3A_68 : f32 to vector<1024x1xf32>
    %neg3A_70 = arith.subf %neg3A_69, %broadcast_in_dim3A_67 : vector<1024x1xf32>
    %exp3A_71 = math.exp %neg3A_70 : vector<1024x1xf32>
    %add3A_72 = arith.constant 1.000000e+00 : f32
    %add3A_73 = vector.broadcast %add3A_72 : f32 to vector<1024x1xf32>
    %add3A_74 = arith.addf %add3A_73, %exp3A_71 : vector<1024x1xf32>
    %div3A_75 = arith.constant 1.000000e+00 : f32
    %div3A_76 = vector.broadcast %div3A_75 : f32 to vector<1024x1xf32>
    %div3A_77 = arith.divf %div3A_76, %add3A_74 : vector<1024x1xf32>
    %jit3A_78 = arith.constant -9.990000e-01 : f32
    %jit3A_79 = arith.constant 9.990000e-01 : f32
    %max3A_80 = vector.broadcast %jit3A_78 : f32 to vector<1024x1xf32>
    %max3A_81 = arith.maximumf %max3A_80, %div3A_77 : vector<1024x1xf32>
    %min3A_82 = vector.broadcast %jit3A_79 : f32 to vector<1024x1xf32>
    %min3A_83 = arith.minimumf %min3A_82, %max3A_81 : vector<1024x1xf32>
    %sub3A_84 = arith.constant 1.000000e+00 : f32
    %sub3A_85 = vector.broadcast %sub3A_84 : f32 to vector<1024x1xf32>
    %sub3A_86 = arith.subf %sub3A_85, %min3A_83 : vector<1024x1xf32>
    %jit3A_87 = arith.constant 0.00999999977 : f32
    %max3A_88 = vector.broadcast %jit3A_87 : f32 to vector<1024x1xf32>
    %max3A_89 = arith.maximumf %max3A_88, %sub3A_86 : vector<1024x1xf32>
    %log3A_90 = math.log %max3A_89 : vector<1024x1xf32>
    %add3A_91 = arith.addf %mul3A_60, %log3A_90 : vector<1024x1xf32>
    %get3A_92 = arith.constant 1024 : index
    %get3A_93 = arith.constant 0 : index
    %get3A_94 = vector.load %arg2[%get3A_92, %get3A_93] : memref<10240x128xf32, #tpu.memory_space<vmem>>, vector<1024x128xf32>
    %mul3A_95 = arith.mulf %min3A_36, %get3A_94 : vector<1024x128xf32>
    %reduce_sum3A_96 = arith.constant dense<0.000000e+00> : vector<1024xf32>
    %reduce_sum3A_97 = vector.multi_reduction <add>, %mul3A_95, %reduce_sum3A_96 [1] : vector<1024x128xf32> to vector<1024xf32>
    %broadcast_in_dim3A_98 = vector.shape_cast %reduce_sum3A_97 : vector<1024xf32> to vector<1024x1xf32>
    %neg3A_99 = arith.constant 0.000000e+00 : f32
    %neg3A_100 = vector.broadcast %neg3A_99 : f32 to vector<1024x1xf32>
    %neg3A_101 = arith.subf %neg3A_100, %broadcast_in_dim3A_98 : vector<1024x1xf32>
    %exp3A_102 = math.exp %neg3A_101 : vector<1024x1xf32>
    %add3A_103 = arith.constant 1.000000e+00 : f32
    %add3A_104 = vector.broadcast %add3A_103 : f32 to vector<1024x1xf32>
    %add3A_105 = arith.addf %add3A_104, %exp3A_102 : vector<1024x1xf32>
    %div3A_106 = arith.constant 1.000000e+00 : f32
    %div3A_107 = vector.broadcast %div3A_106 : f32 to vector<1024x1xf32>
    %div3A_108 = arith.divf %div3A_107, %add3A_105 : vector<1024x1xf32>
    %jit3A_109 = arith.constant -9.990000e-01 : f32
    %jit3A_110 = arith.constant 9.990000e-01 : f32
    %max3A_111 = vector.broadcast %jit3A_109 : f32 to vector<1024x1xf32>
    %max3A_112 = arith.maximumf %max3A_111, %div3A_108 : vector<1024x1xf32>
    %min3A_113 = vector.broadcast %jit3A_110 : f32 to vector<1024x1xf32>
    %min3A_114 = arith.minimumf %min3A_113, %max3A_112 : vector<1024x1xf32>
    %sub3A_115 = arith.constant 1.000000e+00 : f32
    %sub3A_116 = vector.broadcast %sub3A_115 : f32 to vector<1024x1xf32>
    %sub3A_117 = arith.subf %sub3A_116, %min3A_114 : vector<1024x1xf32>
    %jit3A_118 = arith.constant 0.00999999977 : f32
    %max3A_119 = vector.broadcast %jit3A_118 : f32 to vector<1024x1xf32>
    %max3A_120 = arith.maximumf %max3A_119, %sub3A_117 : vector<1024x1xf32>
    %log3A_121 = math.log %max3A_120 : vector<1024x1xf32>
    %add3A_122 = arith.addf %add3A_91, %log3A_121 : vector<1024x1xf32>
    %get3A_123 = arith.constant 2048 : index
    %get3A_124 = arith.constant 0 : index
    %get3A_125 = vector.load %arg2[%get3A_123, %get3A_124] : memref<10240x128xf32, #tpu.memory_space<vmem>>, vector<1024x128xf32>
    %mul3A_126 = arith.mulf %min3A_36, %get3A_125 : vector<1024x128xf32>
    %reduce_sum3A_127 = arith.constant dense<0.000000e+00> : vector<1024xf32>
    %reduce_sum3A_128 = vector.multi_reduction <add>, %mul3A_126, %reduce_sum3A_127 [1] : vector<1024x128xf32> to vector<1024xf32>
    %broadcast_in_dim3A_129 = vector.shape_cast %reduce_sum3A_128 : vector<1024xf32> to vector<1024x1xf32>
    %neg3A_130 = arith.constant 0.000000e+00 : f32
    %neg3A_131 = vector.broadcast %neg3A_130 : f32 to vector<1024x1xf32>
    %neg3A_132 = arith.subf %neg3A_131, %broadcast_in_dim3A_129 : vector<1024x1xf32>
    %exp3A_133 = math.exp %neg3A_132 : vector<1024x1xf32>
    %add3A_134 = arith.constant 1.000000e+00 : f32
    %add3A_135 = vector.broadcast %add3A_134 : f32 to vector<1024x1xf32>
    %add3A_136 = arith.addf %add3A_135, %exp3A_133 : vector<1024x1xf32>
    %div3A_137 = arith.constant 1.000000e+00 : f32
    %div3A_138 = vector.broadcast %div3A_137 : f32 to vector<1024x1xf32>
    %div3A_139 = arith.divf %div3A_138, %add3A_136 : vector<1024x1xf32>
    %jit3A_140 = arith.constant -9.990000e-01 : f32
    %jit3A_141 = arith.constant 9.990000e-01 : f32
    %max3A_142 = vector.broadcast %jit3A_140 : f32 to vector<1024x1xf32>
    %max3A_143 = arith.maximumf %max3A_142, %div3A_139 : vector<1024x1xf32>
    %min3A_144 = vector.broadcast %jit3A_141 : f32 to vector<1024x1xf32>
    %min3A_145 = arith.minimumf %min3A_144, %max3A_143 : vector<1024x1xf32>
    %sub3A_146 = arith.constant 1.000000e+00 : f32
    %sub3A_147 = vector.broadcast %sub3A_146 : f32 to vector<1024x1xf32>
    %sub3A_148 = arith.subf %sub3A_147, %min3A_145 : vector<1024x1xf32>
    %jit3A_149 = arith.constant 0.00999999977 : f32
    %max3A_150 = vector.broadcast %jit3A_149 : f32 to vector<1024x1xf32>
    %max3A_151 = arith.maximumf %max3A_150, %sub3A_148 : vector<1024x1xf32>
    %log3A_152 = math.log %max3A_151 : vector<1024x1xf32>
    %add3A_153 = arith.addf %add3A_122, %log3A_152 : vector<1024x1xf32>
    %get3A_154 = arith.constant 3072 : index
    %get3A_155 = arith.constant 0 : index
    %get3A_156 = vector.load %arg2[%get3A_154, %get3A_155] : memref<10240x128xf32, #tpu.memory_space<vmem>>, vector<1024x128xf32>
    %mul3A_157 = arith.mulf %min3A_36, %get3A_156 : vector<1024x128xf32>
    %reduce_sum3A_158 = arith.constant dense<0.000000e+00> : vector<1024xf32>
    %reduce_sum3A_159 = vector.multi_reduction <add>, %mul3A_157, %reduce_sum3A_158 [1] : vector<1024x128xf32> to vector<1024xf32>
    %broadcast_in_dim3A_160 = vector.shape_cast %reduce_sum3A_159 : vector<1024xf32> to vector<1024x1xf32>
    %neg3A_161 = arith.constant 0.000000e+00 : f32
    %neg3A_162 = vector.broadcast %neg3A_161 : f32 to vector<1024x1xf32>
    %neg3A_163 = arith.subf %neg3A_162, %broadcast_in_dim3A_160 : vector<1024x1xf32>
    %exp3A_164 = math.exp %neg3A_163 : vector<1024x1xf32>
    %add3A_165 = arith.constant 1.000000e+00 : f32
    %add3A_166 = vector.broadcast %add3A_165 : f32 to vector<1024x1xf32>
    %add3A_167 = arith.addf %add3A_166, %exp3A_164 : vector<1024x1xf32>
    %div3A_168 = arith.constant 1.000000e+00 : f32
    %div3A_169 = vector.broadcast %div3A_168 : f32 to vector<1024x1xf32>
    %div3A_170 = arith.divf %div3A_169, %add3A_167 : vector<1024x1xf32>
    %jit3A_171 = arith.constant -9.990000e-01 : f32
    %jit3A_172 = arith.constant 9.990000e-01 : f32
    %max3A_173 = vector.broadcast %jit3A_171 : f32 to vector<1024x1xf32>
    %max3A_174 = arith.maximumf %max3A_173, %div3A_170 : vector<1024x1xf32>
    %min3A_175 = vector.broadcast %jit3A_172 : f32 to vector<1024x1xf32>
    %min3A_176 = arith.minimumf %min3A_175, %max3A_174 : vector<1024x1xf32>
    %sub3A_177 = arith.constant 1.000000e+00 : f32
    %sub3A_178 = vector.broadcast %sub3A_177 : f32 to vector<1024x1xf32>
    %sub3A_179 = arith.subf %sub3A_178, %min3A_176 : vector<1024x1xf32>
    %jit3A_180 = arith.constant 0.00999999977 : f32
    %max3A_181 = vector.broadcast %jit3A_180 : f32 to vector<1024x1xf32>
    %max3A_182 = arith.maximumf %max3A_181, %sub3A_179 : vector<1024x1xf32>
    %log3A_183 = math.log %max3A_182 : vector<1024x1xf32>
    %add3A_184 = arith.addf %add3A_153, %log3A_183 : vector<1024x1xf32>
    %get3A_185 = arith.constant 4096 : index
    %get3A_186 = arith.constant 0 : index
    %get3A_187 = vector.load %arg2[%get3A_185, %get3A_186] : memref<10240x128xf32, #tpu.memory_space<vmem>>, vector<1024x128xf32>
    %mul3A_188 = arith.mulf %min3A_36, %get3A_187 : vector<1024x128xf32>
    %reduce_sum3A_189 = arith.constant dense<0.000000e+00> : vector<1024xf32>
    %reduce_sum3A_190 = vector.multi_reduction <add>, %mul3A_188, %reduce_sum3A_189 [1] : vector<1024x128xf32> to vector<1024xf32>
    %broadcast_in_dim3A_191 = vector.shape_cast %reduce_sum3A_190 : vector<1024xf32> to vector<1024x1xf32>
    %neg3A_192 = arith.constant 0.000000e+00 : f32
    %neg3A_193 = vector.broadcast %neg3A_192 : f32 to vector<1024x1xf32>
    %neg3A_194 = arith.subf %neg3A_193, %broadcast_in_dim3A_191 : vector<1024x1xf32>
    %exp3A_195 = math.exp %neg3A_194 : vector<1024x1xf32>
    %add3A_196 = arith.constant 1.000000e+00 : f32
    %add3A_197 = vector.broadcast %add3A_196 : f32 to vector<1024x1xf32>
    %add3A_198 = arith.addf %add3A_197, %exp3A_195 : vector<1024x1xf32>
    %div3A_199 = arith.constant 1.000000e+00 : f32
    %div3A_200 = vector.broadcast %div3A_199 : f32 to vector<1024x1xf32>
    %div3A_201 = arith.divf %div3A_200, %add3A_198 : vector<1024x1xf32>
    %jit3A_202 = arith.constant -9.990000e-01 : f32
    %jit3A_203 = arith.constant 9.990000e-01 : f32
    %max3A_204 = vector.broadcast %jit3A_202 : f32 to vector<1024x1xf32>
    %max3A_205 = arith.maximumf %max3A_204, %div3A_201 : vector<1024x1xf32>
    %min3A_206 = vector.broadcast %jit3A_203 : f32 to vector<1024x1xf32>
    %min3A_207 = arith.minimumf %min3A_206, %max3A_205 : vector<1024x1xf32>
    %sub3A_208 = arith.constant 1.000000e+00 : f32
    %sub3A_209 = vector.broadcast %sub3A_208 : f32 to vector<1024x1xf32>
    %sub3A_210 = arith.subf %sub3A_209, %min3A_207 : vector<1024x1xf32>
    %jit3A_211 = arith.constant 0.00999999977 : f32
    %max3A_212 = vector.broadcast %jit3A_211 : f32 to vector<1024x1xf32>
    %max3A_213 = arith.maximumf %max3A_212, %sub3A_210 : vector<1024x1xf32>
    %log3A_214 = math.log %max3A_213 : vector<1024x1xf32>
    %add3A_215 = arith.addf %add3A_184, %log3A_214 : vector<1024x1xf32>
    %get3A_216 = arith.constant 5120 : index
    %get3A_217 = arith.constant 0 : index
    %get3A_218 = vector.load %arg2[%get3A_216, %get3A_217] : memref<10240x128xf32, #tpu.memory_space<vmem>>, vector<1024x128xf32>
    %mul3A_219 = arith.mulf %min3A_36, %get3A_218 : vector<1024x128xf32>
    %reduce_sum3A_220 = arith.constant dense<0.000000e+00> : vector<1024xf32>
    %reduce_sum3A_221 = vector.multi_reduction <add>, %mul3A_219, %reduce_sum3A_220 [1] : vector<1024x128xf32> to vector<1024xf32>
    %broadcast_in_dim3A_222 = vector.shape_cast %reduce_sum3A_221 : vector<1024xf32> to vector<1024x1xf32>
    %neg3A_223 = arith.constant 0.000000e+00 : f32
    %neg3A_224 = vector.broadcast %neg3A_223 : f32 to vector<1024x1xf32>
    %neg3A_225 = arith.subf %neg3A_224, %broadcast_in_dim3A_222 : vector<1024x1xf32>
    %exp3A_226 = math.exp %neg3A_225 : vector<1024x1xf32>
    %add3A_227 = arith.constant 1.000000e+00 : f32
    %add3A_228 = vector.broadcast %add3A_227 : f32 to vector<1024x1xf32>
    %add3A_229 = arith.addf %add3A_228, %exp3A_226 : vector<1024x1xf32>
    %div3A_230 = arith.constant 1.000000e+00 : f32
    %div3A_231 = vector.broadcast %div3A_230 : f32 to vector<1024x1xf32>
    %div3A_232 = arith.divf %div3A_231, %add3A_229 : vector<1024x1xf32>
    %jit3A_233 = arith.constant -9.990000e-01 : f32
    %jit3A_234 = arith.constant 9.990000e-01 : f32
    %max3A_235 = vector.broadcast %jit3A_233 : f32 to vector<1024x1xf32>
    %max3A_236 = arith.maximumf %max3A_235, %div3A_232 : vector<1024x1xf32>
    %min3A_237 = vector.broadcast %jit3A_234 : f32 to vector<1024x1xf32>
    %min3A_238 = arith.minimumf %min3A_237, %max3A_236 : vector<1024x1xf32>
    %sub3A_239 = arith.constant 1.000000e+00 : f32
    %sub3A_240 = vector.broadcast %sub3A_239 : f32 to vector<1024x1xf32>
    %sub3A_241 = arith.subf %sub3A_240, %min3A_238 : vector<1024x1xf32>
    %jit3A_242 = arith.constant 0.00999999977 : f32
    %max3A_243 = vector.broadcast %jit3A_242 : f32 to vector<1024x1xf32>
    %max3A_244 = arith.maximumf %max3A_243, %sub3A_241 : vector<1024x1xf32>
    %log3A_245 = math.log %max3A_244 : vector<1024x1xf32>
    %add3A_246 = arith.addf %add3A_215, %log3A_245 : vector<1024x1xf32>
    %get3A_247 = arith.constant 6144 : index
    %get3A_248 = arith.constant 0 : index
    %get3A_249 = vector.load %arg2[%get3A_247, %get3A_248] : memref<10240x128xf32, #tpu.memory_space<vmem>>, vector<1024x128xf32>
    %mul3A_250 = arith.mulf %min3A_36, %get3A_249 : vector<1024x128xf32>
    %reduce_sum3A_251 = arith.constant dense<0.000000e+00> : vector<1024xf32>
    %reduce_sum3A_252 = vector.multi_reduction <add>, %mul3A_250, %reduce_sum3A_251 [1] : vector<1024x128xf32> to vector<1024xf32>
    %broadcast_in_dim3A_253 = vector.shape_cast %reduce_sum3A_252 : vector<1024xf32> to vector<1024x1xf32>
    %neg3A_254 = arith.constant 0.000000e+00 : f32
    %neg3A_255 = vector.broadcast %neg3A_254 : f32 to vector<1024x1xf32>
    %neg3A_256 = arith.subf %neg3A_255, %broadcast_in_dim3A_253 : vector<1024x1xf32>
    %exp3A_257 = math.exp %neg3A_256 : vector<1024x1xf32>
    %add3A_258 = arith.constant 1.000000e+00 : f32
    %add3A_259 = vector.broadcast %add3A_258 : f32 to vector<1024x1xf32>
    %add3A_260 = arith.addf %add3A_259, %exp3A_257 : vector<1024x1xf32>
    %div3A_261 = arith.constant 1.000000e+00 : f32
    %div3A_262 = vector.broadcast %div3A_261 : f32 to vector<1024x1xf32>
    %div3A_263 = arith.divf %div3A_262, %add3A_260 : vector<1024x1xf32>
    %jit3A_264 = arith.constant -9.990000e-01 : f32
    %jit3A_265 = arith.constant 9.990000e-01 : f32
    %max3A_266 = vector.broadcast %jit3A_264 : f32 to vector<1024x1xf32>
    %max3A_267 = arith.maximumf %max3A_266, %div3A_263 : vector<1024x1xf32>
    %min3A_268 = vector.broadcast %jit3A_265 : f32 to vector<1024x1xf32>
    %min3A_269 = arith.minimumf %min3A_268, %max3A_267 : vector<1024x1xf32>
    %sub3A_270 = arith.constant 1.000000e+00 : f32
    %sub3A_271 = vector.broadcast %sub3A_270 : f32 to vector<1024x1xf32>
    %sub3A_272 = arith.subf %sub3A_271, %min3A_269 : vector<1024x1xf32>
    %jit3A_273 = arith.constant 0.00999999977 : f32
    %max3A_274 = vector.broadcast %jit3A_273 : f32 to vector<1024x1xf32>
    %max3A_275 = arith.maximumf %max3A_274, %sub3A_272 : vector<1024x1xf32>
    %log3A_276 = math.log %max3A_275 : vector<1024x1xf32>
    %add3A_277 = arith.addf %add3A_246, %log3A_276 : vector<1024x1xf32>
    %get3A_278 = arith.constant 7168 : index
    %get3A_279 = arith.constant 0 : index
    %get3A_280 = vector.load %arg2[%get3A_278, %get3A_279] : memref<10240x128xf32, #tpu.memory_space<vmem>>, vector<1024x128xf32>
    %mul3A_281 = arith.mulf %min3A_36, %get3A_280 : vector<1024x128xf32>
    %reduce_sum3A_282 = arith.constant dense<0.000000e+00> : vector<1024xf32>
    %reduce_sum3A_283 = vector.multi_reduction <add>, %mul3A_281, %reduce_sum3A_282 [1] : vector<1024x128xf32> to vector<1024xf32>
    %broadcast_in_dim3A_284 = vector.shape_cast %reduce_sum3A_283 : vector<1024xf32> to vector<1024x1xf32>
    %neg3A_285 = arith.constant 0.000000e+00 : f32
    %neg3A_286 = vector.broadcast %neg3A_285 : f32 to vector<1024x1xf32>
    %neg3A_287 = arith.subf %neg3A_286, %broadcast_in_dim3A_284 : vector<1024x1xf32>
    %exp3A_288 = math.exp %neg3A_287 : vector<1024x1xf32>
    %add3A_289 = arith.constant 1.000000e+00 : f32
    %add3A_290 = vector.broadcast %add3A_289 : f32 to vector<1024x1xf32>
    %add3A_291 = arith.addf %add3A_290, %exp3A_288 : vector<1024x1xf32>
    %div3A_292 = arith.constant 1.000000e+00 : f32
    %div3A_293 = vector.broadcast %div3A_292 : f32 to vector<1024x1xf32>
    %div3A_294 = arith.divf %div3A_293, %add3A_291 : vector<1024x1xf32>
    %jit3A_295 = arith.constant -9.990000e-01 : f32
    %jit3A_296 = arith.constant 9.990000e-01 : f32
    %max3A_297 = vector.broadcast %jit3A_295 : f32 to vector<1024x1xf32>
    %max3A_298 = arith.maximumf %max3A_297, %div3A_294 : vector<1024x1xf32>
    %min3A_299 = vector.broadcast %jit3A_296 : f32 to vector<1024x1xf32>
    %min3A_300 = arith.minimumf %min3A_299, %max3A_298 : vector<1024x1xf32>
    %sub3A_301 = arith.constant 1.000000e+00 : f32
    %sub3A_302 = vector.broadcast %sub3A_301 : f32 to vector<1024x1xf32>
    %sub3A_303 = arith.subf %sub3A_302, %min3A_300 : vector<1024x1xf32>
    %jit3A_304 = arith.constant 0.00999999977 : f32
    %max3A_305 = vector.broadcast %jit3A_304 : f32 to vector<1024x1xf32>
    %max3A_306 = arith.maximumf %max3A_305, %sub3A_303 : vector<1024x1xf32>
    %log3A_307 = math.log %max3A_306 : vector<1024x1xf32>
    %add3A_308 = arith.addf %add3A_277, %log3A_307 : vector<1024x1xf32>
    %get3A_309 = arith.constant 8192 : index
    %get3A_310 = arith.constant 0 : index
    %get3A_311 = vector.load %arg2[%get3A_309, %get3A_310] : memref<10240x128xf32, #tpu.memory_space<vmem>>, vector<1024x128xf32>
    %mul3A_312 = arith.mulf %min3A_36, %get3A_311 : vector<1024x128xf32>
    %reduce_sum3A_313 = arith.constant dense<0.000000e+00> : vector<1024xf32>
    %reduce_sum3A_314 = vector.multi_reduction <add>, %mul3A_312, %reduce_sum3A_313 [1] : vector<1024x128xf32> to vector<1024xf32>
    %broadcast_in_dim3A_315 = vector.shape_cast %reduce_sum3A_314 : vector<1024xf32> to vector<1024x1xf32>
    %neg3A_316 = arith.constant 0.000000e+00 : f32
    %neg3A_317 = vector.broadcast %neg3A_316 : f32 to vector<1024x1xf32>
    %neg3A_318 = arith.subf %neg3A_317, %broadcast_in_dim3A_315 : vector<1024x1xf32>
    %exp3A_319 = math.exp %neg3A_318 : vector<1024x1xf32>
    %add3A_320 = arith.constant 1.000000e+00 : f32
    %add3A_321 = vector.broadcast %add3A_320 : f32 to vector<1024x1xf32>
    %add3A_322 = arith.addf %add3A_321, %exp3A_319 : vector<1024x1xf32>
    %div3A_323 = arith.constant 1.000000e+00 : f32
    %div3A_324 = vector.broadcast %div3A_323 : f32 to vector<1024x1xf32>
    %div3A_325 = arith.divf %div3A_324, %add3A_322 : vector<1024x1xf32>
    %jit3A_326 = arith.constant -9.990000e-01 : f32
    %jit3A_327 = arith.constant 9.990000e-01 : f32
    %max3A_328 = vector.broadcast %jit3A_326 : f32 to vector<1024x1xf32>
    %max3A_329 = arith.maximumf %max3A_328, %div3A_325 : vector<1024x1xf32>
    %min3A_330 = vector.broadcast %jit3A_327 : f32 to vector<1024x1xf32>
    %min3A_331 = arith.minimumf %min3A_330, %max3A_329 : vector<1024x1xf32>
    %sub3A_332 = arith.constant 1.000000e+00 : f32
    %sub3A_333 = vector.broadcast %sub3A_332 : f32 to vector<1024x1xf32>
    %sub3A_334 = arith.subf %sub3A_333, %min3A_331 : vector<1024x1xf32>
    %jit3A_335 = arith.constant 0.00999999977 : f32
    %max3A_336 = vector.broadcast %jit3A_335 : f32 to vector<1024x1xf32>
    %max3A_337 = arith.maximumf %max3A_336, %sub3A_334 : vector<1024x1xf32>
    %log3A_338 = math.log %max3A_337 : vector<1024x1xf32>
    %add3A_339 = arith.addf %add3A_308, %log3A_338 : vector<1024x1xf32>
    %get3A_340 = arith.constant 9216 : index
    %get3A_341 = arith.constant 0 : index
    %get3A_342 = vector.load %arg2[%get3A_340, %get3A_341] : memref<10240x128xf32, #tpu.memory_space<vmem>>, vector<1024x128xf32>
    %mul3A_343 = arith.mulf %min3A_36, %get3A_342 : vector<1024x128xf32>
    %reduce_sum3A_344 = arith.constant dense<0.000000e+00> : vector<1024xf32>
    %reduce_sum3A_345 = vector.multi_reduction <add>, %mul3A_343, %reduce_sum3A_344 [1] : vector<1024x128xf32> to vector<1024xf32>
    %broadcast_in_dim3A_346 = vector.shape_cast %reduce_sum3A_345 : vector<1024xf32> to vector<1024x1xf32>
    %neg3A_347 = arith.constant 0.000000e+00 : f32
    %neg3A_348 = vector.broadcast %neg3A_347 : f32 to vector<1024x1xf32>
    %neg3A_349 = arith.subf %neg3A_348, %broadcast_in_dim3A_346 : vector<1024x1xf32>
    %exp3A_350 = math.exp %neg3A_349 : vector<1024x1xf32>
    %add3A_351 = arith.constant 1.000000e+00 : f32
    %add3A_352 = vector.broadcast %add3A_351 : f32 to vector<1024x1xf32>
    %add3A_353 = arith.addf %add3A_352, %exp3A_350 : vector<1024x1xf32>
    %div3A_354 = arith.constant 1.000000e+00 : f32
    %div3A_355 = vector.broadcast %div3A_354 : f32 to vector<1024x1xf32>
    %div3A_356 = arith.divf %div3A_355, %add3A_353 : vector<1024x1xf32>
    %jit3A_357 = arith.constant -9.990000e-01 : f32
    %jit3A_358 = arith.constant 9.990000e-01 : f32
    %max3A_359 = vector.broadcast %jit3A_357 : f32 to vector<1024x1xf32>
    %max3A_360 = arith.maximumf %max3A_359, %div3A_356 : vector<1024x1xf32>
    %min3A_361 = vector.broadcast %jit3A_358 : f32 to vector<1024x1xf32>
    %min3A_362 = arith.minimumf %min3A_361, %max3A_360 : vector<1024x1xf32>
    %sub3A_363 = arith.constant 1.000000e+00 : f32
    %sub3A_364 = vector.broadcast %sub3A_363 : f32 to vector<1024x1xf32>
    %sub3A_365 = arith.subf %sub3A_364, %min3A_362 : vector<1024x1xf32>
    %jit3A_366 = arith.constant 0.00999999977 : f32
    %max3A_367 = vector.broadcast %jit3A_366 : f32 to vector<1024x1xf32>
    %max3A_368 = arith.maximumf %max3A_367, %sub3A_365 : vector<1024x1xf32>
    %log3A_369 = math.log %max3A_368 : vector<1024x1xf32>
    %add3A_370 = arith.addf %add3A_339, %log3A_369 : vector<1024x1xf32>
    %get3A_371 = arith.constant 0 : index
    %get3A_372 = arith.constant 0 : index
    %get3A_373 = vector.load %arg3[%get3A_371, %get3A_372] : memref<1x1xf32, #tpu.memory_space<vmem>>, vector<1x1xf32>
    %get3A_374 = vector.extract %get3A_373[0, 0] : f32 from vector<1x1xf32>
    %get3A_375 = arith.constant 0 : index
    %get3A_376 = arith.constant 0 : index
    %get3A_377 = vector.load %arg4[%get3A_375, %get3A_376] : memref<128x128xf32, #tpu.memory_space<vmem>>, vector<128x128xf32>
    %get3A_378 = arith.constant 0 : index
    %get3A_379 = arith.constant 0 : index
    %get3A_380 = vector.load %arg4[%get3A_378, %get3A_379] : memref<128x128xf32, #tpu.memory_space<vmem>>, vector<128x128xf32>
    %mul3A_381 = arith.mulf %get3A_377, %get3A_380 : vector<128x128xf32>
    %reduce_sum3A_382 = vector.shape_cast %mul3A_381 : vector<128x128xf32> to vector<1x128x128xf32>
    %reduce_sum3A_383 = arith.constant dense<0.000000e+00> : vector<1xf32>
    %reduce_sum3A_384 = vector.multi_reduction <add>, %reduce_sum3A_382, %reduce_sum3A_383 [1, 2] : vector<1x128x128xf32> to vector<1xf32>
    %reduce_sum3A_385 = vector.shape_cast %reduce_sum3A_384 : vector<1xf32> to vector<1x1x1xf32>
    %reduce_sum3A_386 = vector.extract %reduce_sum3A_385[0, 0, 0] : f32 from vector<1x1x1xf32>
    %add3A_387 = arith.addf %get3A_374, %reduce_sum3A_386 : f32
    %reduce_sum3A_388 = vector.shape_cast %add3A_370 : vector<1024x1xf32> to vector<1x1024x1xf32>
    %reduce_sum3A_389 = arith.constant dense<0.000000e+00> : vector<1xf32>
    %reduce_sum3A_390 = vector.multi_reduction <add>, %reduce_sum3A_388, %reduce_sum3A_389 [1, 2] : vector<1x1024x1xf32> to vector<1xf32>
    %reduce_sum3A_391 = vector.shape_cast %reduce_sum3A_390 : vector<1xf32> to vector<1x1x1xf32>
    %reduce_sum3A_392 = vector.extract %reduce_sum3A_391[0, 0, 0] : f32 from vector<1x1x1xf32>
    %mul3A_393 = arith.constant 5.500000e-01 : f32
    %mul3A_394 = arith.mulf %mul3A_393, %reduce_sum3A_392 : f32
    %div3A_395 = arith.constant 1.024000e+03 : f32
    %div3A_396 = arith.divf %mul3A_394, %div3A_395 : f32
    %mul3A_397 = arith.constant 4.88281239E-6 : f32
    %mul3A_398 = arith.mulf %mul3A_397, %add3A_387 : f32
    %add3A_399 = arith.addf %div3A_396, %mul3A_398 : f32
    %broadcast_in_dim3A_400 = vector.broadcast %add3A_399 : f32 to vector<1x1xf32>
    %swap3A = arith.constant 0 : index
    %swap3A_401 = arith.constant 0 : index
    %swap3A_402 = vector.load %arg6[%swap3A, %swap3A_401] : memref<1x1xf32, #tpu.memory_space<vmem>>, vector<1x1xf32>
    tpu.vector_store %arg6[%swap3A, %swap3A_401], %broadcast_in_dim3A_400 {strides = array<i32>} : memref<1x1xf32, #tpu.memory_space<vmem>>, vector<1x1xf32>,
    return
  }
}

</mosaic_0001>

<sc_bundles>
// kernel: kernel.5.cloned.1.call-start
scs
__scs_entry_jumppad:
0x0: {  	(pc) =	sbr.rel $0x88, $3  }
0x1: {  	(tag) =	ssettag $0x0;
	lr =	simm.s32 $0x1  }
0x2: {  	[smem:$0x3F9A] =	sst lr;
	_ =	strace $0xD0000000  }
0x3: {  	_ = 	snop  }
0x4: {  	_ = 	snop  }
0x5: {  	_ = 	snop  }
0x6: {  	_ = 	snop  }
0x7: {  	_ = 	snop  }
__scs_overlays_trampoline_lowered:
0x8: {  	[smem:$0x3FA9] =	sst s0  }
0x9: {  	[smem:$0x3FAA] =	sst s1  }
0xa: {  	[smem:$0x3FAB] =	sst s2  }
0xb: {  	[smem:$0x3FAC] =	sst s3  }
0xc: {  	[smem:$0x3FAD] =	sst s4  }
0xd: {  	[smem:$0x3FAE] =	sst s5  }
0xe: {  	[smem:$0x3FAF] =	sst s6  }
0xf: {  	[smem:$0x3FB0] =	sst s7  }
0x10: {  	[smem:$0x3FB1] =	sst s8  }
0x11: {  	[smem:$0x3FB2] =	sst s9;
	s0 =	simm.s32 @!p0 $0x0  }
0x12: {  	s1 =	sld [smem:$0x3F98];
	s0 =	simm.s32 @p0 $0x1  }
0x13: {  	[smem:$0x3FB3] =	sst s0;
	s0 =	simm.s32 @!p1 $0x0  }
0x14: {  	s2 =	sld [smem:$0x3F97];
	s0 =	simm.s32 @p1 $0x1  }
0x15: {  	[smem:$0x3FB4] =	sst s0;
	s0 =	simm.s32 @!p2 $0x0  }
0x16: {  	s3 =	sld [smem:$0x3FDB];
	s0 =	simm.s32 @p2 $0x1  }
0x17: {  	s4 =	simm.s32 $0x1BF5;
	[smem:$0x3FB6] =	sst s0  }
0x18: {  	s0 =	sld [smem:$0x3F99];
	_ =	swait.ge [sflag:s4], $0x0  }
0x19: {  	s7 =	sld [smem:$0x3F9A]  }
0x1a: {  	s8 =	sadd.s32 $0xFFFFE003, lr  }
0x1b: {  	s9 =	sadd.s32 $0xFFFFFEF7, lr;
	s5 =	simm.s32 $0xFFFFFFFF;
	p2 =	slt.u32 s8, $0xFFFFF086  }
0x1c: {  	p1 =	slt.u32 s9, $0xF7A;
	s5 =	simm.s32 @!p2 $0x0  }
0x1d: {  	s5 =	simm.s32 @p1 $0x1;
	p0 =	seq.s32 s7, s2  }
0x1e: {  	s7 =	smul.u32 @!p0 $0xF7A, s2;
	p2 =	seq.s32 @!p0 s5, $0x0  }
0x1f: {  	s9 =	smul.u32 $0xF7A, s1;
	s8 =	simm.s32 @!p0 $0x1BF5;
	p2 =	por !p2, p0  }
0x20: {  	[sflag:s8] =	ssyncset.s32 @!p0 $0xFFFFF086;
	s6 =	sadd.s32 @!p0 s3, s7;
	s7 =	simm.s32 @!p0 $0x108  }
0x21: {  	s3 =	sadd.s32 s3, s9;
	s6 =	sadd.s32 @!p0 $0x88, s6;
	s7 =	simm.s32 @p2 $0x1082  }
0x22: {  	[simem:s7], [sflag:s8] =	dma.local @!p0 [hbm:s6], $0xF7A  }
0x23: {  	s9 =	sor.u32 $0xD0000000, s2;
	s6 =	simm.s32 $0x108;
	_ =	swait.ge @!p0 [sflag:s8], $0x0  }
0x24: {  	s3 =	sadd.s32 $0x88, s3;
	s6 =	simm.s32 @!p1 $0x1082;
	[sflag:s4] =	ssyncset.s32 $0xFFFFF086  }
0x25: {  	[simem:s6], [sflag:s4] =	dma.local [hbm:s3], $0xF7A  }
0x26: {  	[smem:$0x3F9A] =	sst s1;
	(tag) =	ssettag s2;
	_ =	strace s9  }
0x27: {  	s1 =	sld [smem:$0x3FAA]  }
0x28: {  	s2 =	sld [smem:$0x3FAB]  }
0x29: {  	s4 =	sld [smem:$0x3FAD]  }
0x2a: {  	p0 =	seq.s32 s5, $0x0;
	s5 =	sld [smem:$0x3FAE]  }
0x2b: {  	s6 =	sld [smem:$0x3FAF]  }
0x2c: {  	s7 =	sld [smem:$0x3FB0]  }
0x2d: {  	s3 =	simm.s32 $0x108;
	s8 =	sld [smem:$0x3FB1]  }
0x2e: {  	s3 =	simm.s32 @!p0 $0x1082;
	s9 =	sld [smem:$0x3FB2]  }
0x2f: {  	lr =	sadd.s32 s0, s3;
	s0 =	sld [smem:$0x3FA9]  }
0x30: {  	s3 =	sld [smem:$0x3FAC]  }
0x31: {  	[smem:$0x3FB5] =	sst s10  }
0x32: {  	s10 =	sld [smem:$0x3FB3];
	_ =	sdelay $0x3  }
0x33: {  	p0 =	seq.s32 s10, $0x1;
	s10 =	sld [smem:$0x3FB5];
	_ =	sdelay $0x3  }
0x34: {  	[smem:$0x3FB5] =	sst s10  }
0x35: {  	s10 =	sld [smem:$0x3FB4];
	_ =	sdelay $0x3  }
0x36: {  	p1 =	seq.s32 s10, $0x1;
	s10 =	sld [smem:$0x3FB5];
	_ =	sdelay $0x3  }
0x37: {  	[smem:$0x3FB5] =	sst s10  }
0x38: {  	s10 =	sld [smem:$0x3FB6]  }
0x39: {  	_ = 	snop;
	(pc) =	sbr.ind lr, $3  }
0x3a: {  	_ = 	snop  }
0x3b: {  	_ = 	snop  }
0x3c: {  	p2 =	seq.s32 s10, $0x1;
	s10 =	sld [smem:$0x3FB5]  }
0x3d: {  	_ =	shalt  }
0x3e: {  	_ =	shalt  }
0x3f: {  	_ =	shalt  }
0x40: {  	_ =	shalt  }
0x41: {  	_ =	shalt  }
0x42: {  	_ =	shalt  }
0x43: {  	_ =	shalt  }
0x44: {  	_ =	shalt  }
0x45: {  	_ =	shalt  }
0x46: {  	_ =	shalt  }
0x47: {  	_ =	shalt  }
0x48: {  	_ =	shalt  }
0x49: {  	_ =	shalt  }
0x4a: {  	_ =	shalt  }
0x4b: {  	_ =	shalt  }
0x4c: {  	_ =	shalt  }
0x4d: {  	_ =	shalt  }
0x4e: {  	_ =	shalt  }
0x4f: {  	_ =	shalt  }
0x50: {  	_ =	shalt  }
0x51: {  	_ =	shalt  }
0x52: {  	_ =	shalt  }
0x53: {  	_ =	shalt  }
0x54: {  	_ =	shalt  }
0x55: {  	_ =	shalt  }
0x56: {  	_ =	shalt  }
0x57: {  	_ =	shalt  }
0x58: {  	_ =	shalt  }
0x59: {  	_ =	shalt  }
0x5a: {  	_ =	shalt  }
0x5b: {  	_ =	shalt  }
0x5c: {  	_ =	shalt  }
0x5d: {  	_ =	shalt  }
0x5e: {  	_ =	shalt  }
0x5f: {  	_ =	shalt  }
0x60: {  	_ =	shalt  }
0x61: {  	_ =	shalt  }
0x62: {  	_ =	shalt  }
0x63: {  	_ =	shalt  }
0x64: {  	_ =	shalt  }
0x65: {  	_ =	shalt  }
0x66: {  	_ =	shalt  }
0x67: {  	_ =	shalt  }
0x68: {  	_ =	shalt  }
0x69: {  	_ =	shalt  }
0x6a: {  	_ =	shalt  }
0x6b: {  	_ =	shalt  }
0x6c: {  	_ =	shalt  }
0x6d: {  	_ =	shalt  }
0x6e: {  	_ =	shalt  }
0x6f: {  	_ =	shalt  }
0x70: {  	_ =	shalt  }
0x71: {  	_ =	shalt  }
0x72: {  	_ =	shalt  }
0x73: {  	_ =	shalt  }
0x74: {  	_ =	shalt  }
0x75: {  	_ =	shalt  }
0x76: {  	_ =	shalt  }
0x77: {  	_ =	shalt  }
0x78: {  	_ =	shalt  }
0x79: {  	_ =	shalt  }
0x7a: {  	_ =	shalt  }
0x7b: {  	_ =	shalt  }
0x7c: {  	_ =	shalt  }
0x7d: {  	_ =	shalt  }
0x7e: {  	_ =	shalt  }
0x7f: {  	_ =	shalt  }
0x80: {  	_ =	shalt  }
0x81: {  	_ =	shalt  }
0x82: {  	_ =	shalt  }
0x83: {  	_ =	shalt  }
0x84: {  	_ =	shalt  }
0x85: {  	_ =	shalt  }
0x86: {  	_ =	shalt  }
0x87: {  	_ =	shalt  }
.Lfunc_end0:
.L_simem_size_0:
called_computation_lowered:
.L_overlay_start_0:
0x88: {  	s2 =	sld [smem:$0x3FD9]  }
0x89: {  	s3 =	sld [smem:$0x3FFE];
	_ =	sdelay $0x1  }
0x8a: {  	s1 =	srdreg.scid  }
0x8b: {  	s0 =	sand.u32 $0x1, s1  }
0x8c: {  	s17 =	sshll.u32 s0, $0xA;
	s2 =	sadd.s32 s3, s2  }
0x8d: {  	s2 =	sadd.s32 s2, s17  }
0x8e: {  	[smem:$0x3FC1] =	sst s2  }
0x8f: {  	_ = 	snop  }
0x90: {  	s2 =	sld [smem:$0x3FC9]  }
0x91: {  	s18 =	sld [smem:$0x3FC8]  }
0x92: {  	s4 =	sld [smem:$0x3FC4];
	(tm) =	ssettm $0x1  }
0x93: {  	s5 =	sld [smem:$0x3FFB];
	_ =	sdelay $0x3  }
0x94: {  	_ =	strace s5  }
0x95: {  	s5 =	sld [smem:$0x3FFC];
	_ =	sdelay $0x3  }
0x96: {  	_ =	strace s5  }
0x97: {  	s5 =	sld [smem:$0x3FFD];
	_ =	sdelay $0x3  }
0x98: {  	_ =	strace s5  }
0x99: {  	_ =	strace $0x8FFFFFFF  }
0x9a: {  	s19 =	sld [smem:$0x3FDB];
	_ =	sdelay $0x1  }
0x9b: {  	s6 =	simm.s32 $_scs_section_size  }
0x9c: {  	s7 =	simm.s32 $_size__tile_overlayer_lowered;
	s8 =	simm.s32 $_tile_overlayer_lowered  }
0x9d: {  	s22 =	simm.s32 $0x1BFF;
	s21 =	sshll.u32 s8, $0x1;
	s5 =	sadd.s32 s6, s19  }
0x9e: {  	s9 =	simm.s32 $0x0;
	s20 =	sshll.u32 s7, $0x1;
	s7 =	sadd.s32 s21, s5  }
0x9f: {  	[timem:s9], [sflag:s22] =	dma.local [hbm:s7], s20  }
0xa0: {  	_ =	swait.ge [sflag:s22], s20  }
0xa1: {  	s6 =	ssub.s32 $0x0, s20;
	[sflag:s22] =	ssyncset.done $0x0  }
0xa2: {  	[sflag:s22] =	ssyncadd.s32 s6;
	_ =	sdelay $0x1  }
0xa3: {  	s23 =	simm.s32 $0x1B8B  }
0xa4: {  	_ =	swait.ge [sflag:s23], $0x1  }
0xa5: {  	[sflag:s23] =	ssyncset.done $0x0  }
0xa6: {  	s25 =	simm.s32 $0x1B8E;
	s24 =	sld [smem:$0x3FFE];
	[sflag:s23] =	ssyncadd.s32 $0xFFFFFFFF  }
0xa7: {  	s26 =	simm.s32 $execute0_lowered;
	[smem:$0x3FD2] =	sst s25  }
0xa8: {  	s7 =	sshll.u32 s26, $0x1;
	_ =	strace $0x80000046;
	[dreg:$0x1] =	wrdreg $0xFFFFFFFF  }
0xa9: {  	s28 =	simm.s32 $_size_execute0_lowered;
	s5 =	sadd.s32 s5, s7;
	[dreg:$0x0] =	wrdreg $0x0  }
0xaa: {  	s7 =	sshll.u32 s28, $0x1;
	[dreg:$0x2] =	wrdreg s5  }
0xab: {  	[dreg:$0x3] =	wrdreg s7  }
0xac: {  	[dreg:$0x4] =	wrdreg $0xC0  }
0xad: {  	_ =	task [dreg:s9], $0x5FFFF  }
0xae: {  	[dreg:$0x1] =	wrdreg $0xFFFFFFFF  }
0xaf: {  	[dreg:$0x0] =	wrdreg $0x60  }
0xb0: {  	[dreg:$0x2] =	wrdreg s2  }
0xb1: {  	[dreg:$0x3] =	wrdreg s18  }
0xb2: {  	[dreg:$0x4] =	wrdreg s24  }
0xb3: {  	[dreg:$0x5] =	wrdreg s4  }
0xb4: {  	[dreg:$0x6] =	wrdreg $0x9  }
0xb5: {  	_ =	task.clear_ibuf [dreg:s9], $0x7FFFF;
	_ =	strace $0x90000046  }
0xb6: {  	s29 =	simm.s32 $0x9;
	_ =	strace $0x80000048  }
0xb7: {  	_ =	swait.ge [sflag:s29], $0x1  }
0xb8: {  	[sflag:s29] =	ssyncadd.s32 $0xFFFFFFFF  }
0xb9: {  	_ =	strace $0x90000048  }
0xba: {  	_ =	sfence  }
0xbb: {  	s30 =	sld [smem:$0x0];
	_ =	sdelay $0x2  }
0xbc: {  	s31 =	sshll.u32 s1, $0xD;
	s1 =	sshrl.u32 s1, $0x2  }
0xbd: {  	s3 =	sand.u32 $0x4000, s31;
	s1 =	sadd.s32 s1, s30  }
0xbe: {  	s0 =	sor.u32 s3, s0;
	s1 =	sshll.u32 s1, $0x11  }
0xbf: {  	s0 =	sor.u32 s1, s0  }
0xc0: {  	s0 =	sadd.s32 $0x8F2B, s0  }
0xc1: {  	[sflag:s0] =	ssyncadd.remote.s32 $0x1  }
0xc2: {  	_ =	sfence.sel $0xFFFF  }
0xc3: {  	[dreg:$0x0] =	wrdreg $0xFFFFFFFF;
	(pc) =	sbr.abs _section_cstart, $3  }
0xc4: {  	[dreg:$0x1] =	wrdreg $0xFFFFFFFF  }
0xc5: {  	_ =	task.clear_ibuf [dreg:s9], $0x2FFFF;
	_ =	strace $0x9FFFFFFF  }
0xc6: {  	(tm) =	ssettm $0x7FFFFFFF  }
0xc7: {  	_ =	shalt  }
tec
execute0_lowered:
.L_overlay_start_1:
0x0: {  	(tag) =	ssettag $0x1  }
0x1: {  	s1 =	rddreg [dreg:$0x0]  }
0x2: {  	s2 =	rddreg [dreg:$0x1]  }
0x3: {  	s0 =	rddreg [dreg:$0x2]  }
0x4: {  	s3 =	srdreg.scid;
	s4 =	stileid.u32  }
0x5: {  	s5 =	rddreg [dreg:$0x3];
	s21 =	simm.s32 $0x16000;
	s22 =	simm.s32 $0x16180  }
0x6: {  	s28 =	simm.s32 $0x50;
	s30 =	simm.s32 $0xA000;
	s29 =	simm.s32 $0xF000  }
0x7: {  	s3 =	sand.u32 $0x1, s3;
	s6 =	sshll.u32 s4, $0x1;
	s4 =	simm.s32 $0x0  }
0x8: {  	s31 =	simm.s32 $0x14000;
	s6 =	sor.u32 s3, s6;
	[smem:$0x7FF] =	sst s4  }
0x9: {  	s3 =	ssub.s32 $0x2, s3;
	s7 =	smul.u32 $0x28, s6;
	_ =	strace $0x80000047  }
0xa: {  	s8 =	sshll.u32 s6, $0x9;
	s9 =	sshrl.u32 s3, $0x1;
	s6 =	sshll.u32 s6, $0x2  }
0xb: {  	s3 =	ssub.s32 s3, s9;
	s5 =	sadd.s32 s5, s6;
	s7 =	sadd.s32 s7, s0  }
0xc: {  	s0 =	sadd.s32 s8, s0;
	[dreg:$0x7] =	wrdreg s5;
	s20 =	smax.u32 s3, $0x1  }
0xd: {  	s23 =	sadd.s32 $0x1200, s7;
	s7 =	sadd.s32 $0x1800, s7;
	s24 =	sadd.s32 $0x2DE00, s0  }
0xe: {  	s25 =	sadd.s32 $0x1E00, s0;
	s26 =	sadd.s32 $0x5E00, s0;
	s11 =	sadd.s32 $0x9E00, s0  }
0xf: {  	s12 =	sadd.s32 $0xDE00, s0;
	s13 =	sadd.s32 $0x11E00, s0;
	[dreg:$0x5] =	wrdreg s23  }
0x10: {  	s14 =	sadd.s32 $0x15E00, s0;
	s15 =	sadd.s32 $0x19E00, s0;
	[dreg:$0x6] =	wrdreg s7  }
0x11: {  	s16 =	sadd.s32 $0x1DE00, s0;
	s17 =	sadd.s32 $0x21E00, s0;
	[dreg:$0x8] =	wrdreg s24  }
0x12: {  	s18 =	sadd.s32 $0x25E00, s0;
	s19 =	sadd.s32 $0x29E00, s0;
	[dreg:$0x9] =	wrdreg s25  }
0x13: {  	s0 =	simm.s32 $0x0;
	[dreg:$0xa] =	wrdreg s26;
	s23 =	simm.s32 $0x16300  }
0x14: {  	s24 =	simm.s32 $0x1;
	s25 =	simm.s32 $0x2;
	s26 =	simm.s32 $0x3  }
.LBB2_1:
0x15: {  	s3 =	rddreg [dreg:$0x5]  }
0x16: {  	[tilespmem:s21], [sflag:$0x1] =	stream.linear.gather [hbm4b:s3+s4], $0x140, $0x38;
	[tilespmem:$0x16380] =	vst v63  }
0x17: {  	s8 =	rddreg [dreg:$0x6]  }
0x18: {  	[tilespmem:s22], [sflag:$0x2] =	stream.linear.gather [hbm4b:s8+s4], $0x140, $0x38;
	[tilespmem:$0x16380] =	vst v63  }
0x19: {  	s9 =	rddreg [dreg:$0x7]  }
0x1a: {  	[tilespmem:s23], [sflag:$0x3] =	stream.linear.gather [hbm4b:s9+s4], $0x20, $0x38;
	[tilespmem:$0x16380] =	vst v63  }
0x1b: {  	_ =	swait.ge [sflag:s24], $0x140  }
0x1c: {  	[sflag:s24] =	ssyncset.done $0x0  }
0x1d: {  	[sflag:s24] =	ssyncadd.s32 $0xFFFFFEC0  }
0x1e: {  	_ =	swait.ge [sflag:s25], $0x140  }
0x1f: {  	[sflag:s25] =	ssyncset.done $0x0  }
0x20: {  	[sflag:s25] =	ssyncadd.s32 $0xFFFFFEC0  }
0x21: {  	_ =	swait.ge [sflag:s26], $0x20  }
0x22: {  	[sflag:s26] =	ssyncset.done $0x0  }
0x23: {  	[sflag:s26] =	ssyncadd.s32 $0xFFFFFFE0  }
0x24: {  	[tilespmem:s4], [sflag:$0x1] =	stream.indirect.gather [hbm4b:s1+s28], $0x80, s21, s28, $0xb8;
	[tilespmem:$0x16380] =	vst v63  }
0x25: {  	s10 =	simm.s32 $0x16050;
	s5 =	simm.s32 $0x2800  }
0x26: {  	[tilespmem:s5], [sflag:$0x1] =	stream.indirect.gather [hbm4b:s1+s28], $0x80, s10, s28, $0xb8;
	[tilespmem:$0x16380] =	vst v63  }
0x27: {  	s6 =	simm.s32 $0x5000;
	s5 =	simm.s32 $0x160A0  }
0x28: {  	[tilespmem:s6], [sflag:$0x1] =	stream.indirect.gather [hbm4b:s1+s28], $0x80, s5, s28, $0xb8;
	[tilespmem:$0x16380] =	vst v63  }
0x29: {  	s7 =	simm.s32 $0x160F0;
	s8 =	simm.s32 $0x7800  }
0x2a: {  	[tilespmem:s8], [sflag:$0x1] =	stream.indirect.gather [hbm4b:s1+s28], $0x80, s7, s28, $0xb8;
	[tilespmem:$0x16380] =	vst v63  }
0x2b: {  	_ = 	snop  }
0x2c: {  	[tilespmem:s30], [sflag:$0x2] =	stream.indirect.gather [hbm4b:s2+s28], $0x80, s22, s28, $0xb8;
	[tilespmem:$0x16380] =	vst v63  }
0x2d: {  	s9 =	simm.s32 $0x161D0;
	s10 =	simm.s32 $0xC800  }
0x2e: {  	[tilespmem:s10], [sflag:$0x2] =	stream.indirect.gather [hbm4b:s2+s28], $0x80, s9, s28, $0xb8;
	[tilespmem:$0x16380] =	vst v63  }
0x2f: {  	s6 =	simm.s32 $0x16220  }
0x30: {  	[tilespmem:s29], [sflag:$0x2] =	stream.indirect.gather [hbm4b:s2+s28], $0x80, s6, s28, $0xb8;
	[tilespmem:$0x16380] =	vst v63  }
0x31: {  	s7 =	simm.s32 $0x16270;
	s8 =	simm.s32 $0x11800  }
0x32: {  	[tilespmem:s8], [sflag:$0x2] =	stream.indirect.gather [hbm4b:s2+s28], $0x80, s7, s28, $0xb8;
	[tilespmem:$0x16380] =	vst v63  }
0x33: {  	s9 =	simm.s32 $0x20  }
0x34: {  	[tilespmem:s31], [sflag:$0x3] =	stream.indirect.gather [hbm4b:s2+s9], $0x80, s23, s9, $0xb8;
	[tilespmem:$0x16380] =	vst v63  }
0x35: {  	_ =	swait.ge [sflag:s26], $0x1000  }
0x36: {  	[sflag:s26] =	ssyncset.done $0x0  }
0x37: {  	s10 =	rddreg [dreg:$0x8];
	[sflag:s26] =	ssyncadd.s32 $0xFFFFF000  }
0x38: {  	[hbm4b:s10+s4] =	stream.linear.scatter [tilespmem:s31], [sflag:$0x3], $0x1000, $0x38;
	[tilespmem:$0x16380] =	vst v63  }
0x39: {  	_ =	swait.ge [sflag:s24], $0x2800  }
0x3a: {  	[sflag:s24] =	ssyncset.done $0x0  }
0x3b: {  	[sflag:s24] =	ssyncadd.s32 $0xFFFFD800  }
0x3c: {  	_ =	swait.ge [sflag:s24], $0x2800  }
0x3d: {  	[sflag:s24] =	ssyncset.done $0x0  }
0x3e: {  	[sflag:s24] =	ssyncadd.s32 $0xFFFFD800  }
0x3f: {  	_ =	swait.ge [sflag:s24], $0x2800  }
0x40: {  	[sflag:s24] =	ssyncset.done $0x0  }
0x41: {  	[sflag:s24] =	ssyncadd.s32 $0xFFFFD800  }
0x42: {  	_ =	swait.ge [sflag:s24], $0x2800  }
0x43: {  	[sflag:s24] =	ssyncset.done $0x0  }
0x44: {  	[sflag:s24] =	ssyncadd.s32 $0xFFFFD800  }
0x45: {  	_ =	swait.ge [sflag:s25], $0x2800  }
0x46: {  	[sflag:s25] =	ssyncset.done $0x0  }
0x47: {  	[sflag:s25] =	ssyncadd.s32 $0xFFFFD800  }
0x48: {  	_ =	swait.ge [sflag:s25], $0x2800  }
0x49: {  	[sflag:s25] =	ssyncset.done $0x0  }
0x4a: {  	[sflag:s25] =	ssyncadd.s32 $0xFFFFD800  }
0x4b: {  	_ =	swait.ge [sflag:s25], $0x2800  }
0x4c: {  	[sflag:s25] =	ssyncset.done $0x0  }
0x4d: {  	[sflag:s25] =	ssyncadd.s32 $0xFFFFD800  }
0x4e: {  	_ =	swait.ge [sflag:s25], $0x2800  }
0x4f: {  	[sflag:s25] =	ssyncset.done $0x0  }
0x50: {  	s5 =	rddreg [dreg:$0x9];
	[sflag:s25] =	ssyncadd.s32 $0xFFFFD800  }
0x51: {  	[hbm4b:s5+s4] =	stream.linear.scatter [tilespmem:s30], [sflag:$0x2], $0x1000, $0x38;
	[tilespmem:$0x16380] =	vst v63  }
0x52: {  	s7 =	simm.s32 $0xB000;
	s6 =	rddreg [dreg:$0xa]  }
0x53: {  	[hbm4b:s6+s4] =	stream.linear.scatter [tilespmem:s7], [sflag:$0x2], $0x1000, $0x38;
	[tilespmem:$0x16380] =	vst v63  }
0x54: {  	s8 =	simm.s32 $0xC000  }
0x55: {  	[hbm4b:s11+s4] =	stream.linear.scatter [tilespmem:s8], [sflag:$0x2], $0x1000, $0x38;
	[tilespmem:$0x16380] =	vst v63  }
0x56: {  	s9 =	simm.s32 $0xD000  }
0x57: {  	[hbm4b:s12+s4] =	stream.linear.scatter [tilespmem:s9], [sflag:$0x2], $0x1000, $0x38;
	[tilespmem:$0x16380] =	vst v63  }
0x58: {  	s10 =	simm.s32 $0xE000  }
0x59: {  	[hbm4b:s13+s4] =	stream.linear.scatter [tilespmem:s10], [sflag:$0x2], $0x1000, $0x38;
	[tilespmem:$0x16380] =	vst v63  }
0x5a: {  	_ = 	snop  }
0x5b: {  	[hbm4b:s14+s4] =	stream.linear.scatter [tilespmem:s29], [sflag:$0x2], $0x1000, $0x38;
	[tilespmem:$0x16380] =	vst v63  }
0x5c: {  	s5 =	simm.s32 $0x10000;
	s8 =	simm.s32 $0x0  }
0x5d: {  	[hbm4b:s15+s4] =	stream.linear.scatter [tilespmem:s5], [sflag:$0x2], $0x1000, $0x38;
	[tilespmem:$0x16380] =	vst v63  }
0x5e: {  	s6 =	simm.s32 $0x11000;
	s9 =	smul.u32 $0x1400, s8  }
0x5f: {  	[hbm4b:s16+s4] =	stream.linear.scatter [tilespmem:s6], [sflag:$0x2], $0x1000, $0x38;
	[tilespmem:$0x16380] =	vst v63  }
0x60: {  	s3 =	sand.u32 $0x70, s4;
	s7 =	simm.s32 $0x12000;
	s5 =	sshra.s32 s9, $0x2  }
0x61: {  	[hbm4b:s17+s4] =	stream.linear.scatter [tilespmem:s7], [sflag:$0x2], $0x1000, $0x38;
	[tilespmem:$0x16380] =	vst v63  }
0x62: {  	s10 =	simm.s32 $0x13000;
	s6 =	sor.u32 s3, s5  }
0x63: {  	[hbm4b:s18+s4] =	stream.linear.scatter [tilespmem:s10], [sflag:$0x2], $0x1000, $0x38;
	[tilespmem:$0x16380] =	vst v63  }
0x64: {  	v0 =	vld [tilespmem:s6+$0x0];
	_ =	sdelay $0x1  }
0x65: {  	v1 =	vld [tilespmem:s6+$0x80];
	_ =	sdelay $0x1  }
0x66: {  	v2 =	vld [tilespmem:s6+$0x100]  }
0x67: {  	v0 =	vadd.f32 $0.0e+00, v0  }
0x68: {  	v3 =	vld [tilespmem:s6+$0x180]  }
0x69: {  	v0 =	vadd.f32 v1, v0  }
0x6a: {  	v1 =	vld [tilespmem:s6+$0x200]  }
0x6b: {  	v0 =	vadd.f32 v2, v0  }
0x6c: {  	v2 =	vld [tilespmem:s6+$0x280]  }
0x6d: {  	v0 =	vadd.f32 v3, v0  }
0x6e: {  	v3 =	vld [tilespmem:s6+$0x300]  }
0x6f: {  	v0 =	vadd.f32 v1, v0  }
0x70: {  	v1 =	vld [tilespmem:s6+$0x380]  }
0x71: {  	v0 =	vadd.f32 v2, v0;
	_ =	sdelay $0x1  }
0x72: {  	v2 =	vld [tilespmem:s6+$0x400];
	v0 =	vadd.f32 v3, v0;
	_ =	sdelay $0x1  }
0x73: {  	v1 =	vadd.f32 v1, v0;
	v0 =	vld [tilespmem:s6+$0x480];
	_ =	sdelay $0x1  }
0x74: {  	s8 =	simm.s32 $0x0;
	s9 =	simm.s32 $0x0  }
0x75: {  	s5 =	simm.s32 $0x1;
	s7 =	simm.s32 $0x2;
	s6 =	simm.s32 $0x0;
	v1 =	vadd.f32 v2, v1  }
.LBB2_2:
0x76: {  	p0 =	sne.s32 s7, $0xFF;
	s9 =	smul.u32 $0x1400, s9;
	s8 =	sshll.u32 s8, $0x4  }
0x77: {  	s6 =	sadd.s32 $0x10, s6;
	v0 =	vadd.f32 v0, v1;
	s10 =	sand.u32 $0x3FFFFF80, s8;
	s8 =	smov.u32 s5  }
0x78: {  	s5 =	sshra.s32 s9, $0x2;
	s9 =	sor.u32 s3, s10;
	s3 =	sand.u32 $0x70, s6  }
0x79: {  	s10 =	sor.u32 s3, s5;
	[tilespmem:s9+$0x15000] =	vst v0;
	s5 =	smov.u32 s7  }
0x7a: {  	v0 =	vld [tilespmem:s10+$0x0];
	_ =	sdelay $0x1  }
0x7b: {  	v1 =	vld [tilespmem:s10+$0x80];
	_ =	sdelay $0x1  }
0x7c: {  	v2 =	vld [tilespmem:s10+$0x100]  }
0x7d: {  	v0 =	vadd.f32 $0.0e+00, v0  }
0x7e: {  	v3 =	vld [tilespmem:s10+$0x180]  }
0x7f: {  	v0 =	vadd.f32 v1, v0  }
0x80: {  	v1 =	vld [tilespmem:s10+$0x200]  }
0x81: {  	v0 =	vadd.f32 v2, v0  }
0x82: {  	v2 =	vld [tilespmem:s10+$0x280]  }
0x83: {  	v0 =	vadd.f32 v3, v0  }
0x84: {  	v3 =	vld [tilespmem:s10+$0x300]  }
0x85: {  	v0 =	vadd.f32 v1, v0  }
0x86: {  	v1 =	vld [tilespmem:s10+$0x380]  }
0x87: {  	v0 =	vadd.f32 v2, v0  }
0x88: {  	v2 =	vld [tilespmem:s10+$0x400]  }
.Ltmp0:
0x89: {  	v3 =	vadd.f32 v3, v0;
	(pc) =	sbr.rel @p0 .LBB2_2-.Ltmp0, $3  }
0x8a: {  	v0 =	vld [tilespmem:s10+$0x480]  }
0x8b: {  	v1 =	vadd.f32 v1, v3;
	_ =	sdelay $0x1  }
0x8c: {  	s7 =	sadd.s32 $0x1, s7;
	s9 =	sshrl.u32 s5, $0x3;
	v1 =	vadd.f32 v2, v1  }
0x8d: {  	s7 =	smul.u32 $0x1400, s9;
	s8 =	sshll.u32 s8, $0x4  }
0x8e: {  	s6 =	sadd.s32 $0x10, s6;
	v0 =	vadd.f32 v0, v1;
	s8 =	sand.u32 $0x3FFFFF80, s8  }
0x8f: {  	s6 =	sand.u32 $0x70, s6;
	s7 =	sshra.s32 s7, $0x2;
	s3 =	sor.u32 s3, s8  }
0x90: {  	s7 =	sor.u32 s6, s7;
	[tilespmem:s3+$0x15000] =	vst v0  }
0x91: {  	v0 =	vld [tilespmem:s7+$0x0];
	_ =	sdelay $0x1  }
0x92: {  	v57 =	vld [tilespmem:s7+$0x80];
	_ =	sdelay $0x1  }
0x93: {  	v2 =	vld [tilespmem:s7+$0x100]  }
0x94: {  	v0 =	vadd.f32 $0.0e+00, v0  }
0x95: {  	v3 =	vld [tilespmem:s7+$0x180]  }
0x96: {  	v0 =	vadd.f32 v57, v0  }
0x97: {  	v58 =	vld [tilespmem:s7+$0x200]  }
0x98: {  	v0 =	vadd.f32 v2, v0  }
0x99: {  	v59 =	vld [tilespmem:s7+$0x280]  }
0x9a: {  	v0 =	vadd.f32 v3, v0  }
0x9b: {  	v60 =	vld [tilespmem:s7+$0x300]  }
0x9c: {  	v0 =	vadd.f32 v58, v0  }
0x9d: {  	v61 =	vld [tilespmem:s7+$0x380]  }
0x9e: {  	v0 =	vadd.f32 v59, v0  }
0x9f: {  	v62 =	vld [tilespmem:s7+$0x400]  }
0xa0: {  	v0 =	vadd.f32 v60, v0  }
0xa1: {  	v63 =	vld [tilespmem:s7+$0x480]  }
0xa2: {  	v0 =	vadd.f32 v61, v0;
	_ =	sdelay $0x1  }
0xa3: {  	v0 =	vadd.f32 v62, v0  }
0xa4: {  	s9 =	sshll.u32 s5, $0x4  }
0xa5: {  	s3 =	sand.u32 $0x3FFFFF80, s9;
	v0 =	vadd.f32 v63, v0  }
0xa6: {  	s3 =	sor.u32 s6, s3  }
0xa7: {  	s10 =	simm.s32 $0x15000;
	[tilespmem:s3+$0x15000] =	vst v0  }
0xa8: {  	[hbm4b:s19+s4] =	stream.linear.scatter [tilespmem:s10], [sflag:$0x1], $0x1000, $0x38;
	[tilespmem:$0x16380] =	vst v63  }
0xa9: {  	_ =	swait.ge [sflag:s26], $0x1000  }
0xaa: {  	[sflag:s26] =	ssyncset.done $0x0  }
0xab: {  	[sflag:s26] =	ssyncadd.s32 $0xFFFFF000  }
0xac: {  	_ =	swait.ge [sflag:s25], $0x1000  }
0xad: {  	[sflag:s25] =	ssyncset.done $0x0  }
0xae: {  	[sflag:s25] =	ssyncadd.s32 $0xFFFFF000  }
0xaf: {  	_ =	swait.ge [sflag:s25], $0x1000  }
0xb0: {  	[sflag:s25] =	ssyncset.done $0x0  }
0xb1: {  	[sflag:s25] =	ssyncadd.s32 $0xFFFFF000  }
0xb2: {  	_ =	swait.ge [sflag:s25], $0x1000  }
0xb3: {  	[sflag:s25] =	ssyncset.done $0x0  }
0xb4: {  	[sflag:s25] =	ssyncadd.s32 $0xFFFFF000  }
0xb5: {  	_ =	swait.ge [sflag:s25], $0x1000  }
0xb6: {  	[sflag:s25] =	ssyncset.done $0x0  }
0xb7: {  	[sflag:s25] =	ssyncadd.s32 $0xFFFFF000  }
0xb8: {  	_ =	swait.ge [sflag:s25], $0x1000  }
0xb9: {  	[sflag:s25] =	ssyncset.done $0x0  }
0xba: {  	[sflag:s25] =	ssyncadd.s32 $0xFFFFF000  }
0xbb: {  	_ =	swait.ge [sflag:s25], $0x1000  }
0xbc: {  	[sflag:s25] =	ssyncset.done $0x0  }
0xbd: {  	[sflag:s25] =	ssyncadd.s32 $0xFFFFF000  }
0xbe: {  	_ =	swait.ge [sflag:s25], $0x1000  }
0xbf: {  	[sflag:s25] =	ssyncset.done $0x0  }
0xc0: {  	[sflag:s25] =	ssyncadd.s32 $0xFFFFF000  }
0xc1: {  	_ =	swait.ge [sflag:s25], $0x1000  }
0xc2: {  	[sflag:s25] =	ssyncset.done $0x0  }
0xc3: {  	[sflag:s25] =	ssyncadd.s32 $0xFFFFF000  }
0xc4: {  	_ =	swait.ge [sflag:s25], $0x1000  }
0xc5: {  	[sflag:s25] =	ssyncset.done $0x0  }
0xc6: {  	s0 =	sadd.s32 $0x1, s0;
	[sflag:s25] =	ssyncadd.s32 $0xFFFFF000  }
0xc7: {  	p0 =	sne.s32 s0, s20;
	_ =	swait.ge [sflag:s25], $0x1000  }
.Ltmp1:
0xc8: {  	[sflag:s25] =	ssyncset.done $0x0;
	(pc) =	sbr.rel @p0 .LBB2_1-.Ltmp1, $4  }
0xc9: {  	[sflag:s25] =	ssyncadd.s32 $0xFFFFF000  }
0xca: {  	_ =	swait.ge [sflag:s24], $0x1000  }
0xcb: {  	[sflag:s24] =	ssyncset.done $0x0  }
0xcc: {  	[sflag:s24] =	ssyncadd.s32 $0xFFFFF000  }
0xcd: {  	_ =	sfence.sel $0x180000  }
0xce: {  	[bflag:$0x0] =	sbarrier.arrive $0xFFFF  }
0xcf: {  	_ =	strace $0x90000047  }
0xd0: {  	s0 =	stileid.u32;
	[bflag:$0x2] =	sbarrier.arrive $0xFFFF  }
0xd1: {  	p0 =	sne.s32 s0, $0x0;
	s0 =	rddreg [dreg:$0x4]  }
0xd2: {  	s0 =	sadd.s32 @!p0 $0x100000, s0  }
0xd3: {  	[sflag:s0] =	ssyncadd.tile.s32 @!p0 $0x1;
	_ =	shalt  }
.Lfunc_end2:
_tile_overlayer_lowered:
.L_overlay_start_2:
0xd4: {  	(tag) =	ssettag $0x2  }
0xd5: {  	s0 =	rddreg [dreg:$0x0];
	s2 =	stileid.u32  }
0xd6: {  	s1 =	rddreg [dreg:$0x1];
	p0 =	sne.s32 s2, $0x0  }
0xd7: {  	s3 =	rddreg [dreg:$0x2];
	[bflag:$0x3] =	sbarrier.arrive $0xFFFF;
	s2 =	simm.s32 @!p0 $0x1C04  }
0xd8: {  	[timem:s3], [sflag:s2] =	dma.local @!p0 [hbm:s0], s1  }
0xd9: {  	s0 =	simm.s32 @!p0 $0x4  }
0xda: {  	_ =	swait.ge @!p0 [sflag:s0], s1  }
0xdb: {  	s1 =	ssub.s32 @!p0 $0x0, s1;
	[sflag:s0] =	ssyncset.done @!p0 $0x0  }
0xdc: {  	[sflag:s0] =	ssyncadd.s32 @!p0 s1  }
0xdd: {  	[bflag:$0x3] =	sbarrier.arrive $0xFFFF  }
0xde: {  	_ =	shalt  }

</sc_bundles>
